<compile_context>
chip_gen: v7x
topology: tpu7x:2x2x1
jax: 0.10.2.dev20260603
libtpu: 0.0.44.dev20260713+nightly
codegen_flags: <defaults>
</compile_context>

<pallas_src>
import functools

import jax
import jax.numpy as jnp
from jax import lax
from jax.experimental import pallas as pl
from jax.experimental.pallas import tpu as pltpu
from jax.experimental.pallas import tpu_sc as plsc

N = 10000
E = 160000
H = 256
HH = 128
L = 2

NTILES = 16
CHUNK = 128
NCHUNK = 80
EPAD = NTILES * NCHUNK * CHUNK

R1 = 9712
NSP1 = 9728
NSP2 = 1024
OUT1 = 10240
TAILOFF = 9000

BR = 1000
TAILBLK = N // BR - 1
TAILROW = R1 - TAILBLK * BR


def _tc_a_body(h_ref, w_ref, whh_ref, bhh_ref, m2_ref, gh_ref):
    h_blk = h_ref[...]
    m = jnp.dot(h_blk, w_ref[...], preferred_element_type=jnp.float32)
    m2_ref[0] = m[:, :HH]
    m2_ref[1] = m[:, HH:]
    gh = lax.dot_general(h_blk, whh_ref[...], (((1,), (1,)), ((), ())),
                         preferred_element_type=jnp.float32)
    gh_ref[...] = gh + bhh_ref[...]


def _tc_a(h, w, w_hh, b_hh2):
    return pl.pallas_call(
        _tc_a_body,
        grid=(N // BR,),
        in_specs=[
            pl.BlockSpec((BR, H), lambda r: (r, 0)),
            pl.BlockSpec((H, H), lambda r: (0, 0)),
            pl.BlockSpec((3 * H, H), lambda r: (0, 0)),
            pl.BlockSpec((1, 3 * H), lambda r: (0, 0)),
        ],
        out_specs=[
            pl.BlockSpec((2, BR, HH), lambda r: (0, r, 0)),
            pl.BlockSpec((BR, 3 * H), lambda r: (r, 0)),
        ],
        out_shape=[
            jax.ShapeDtypeStruct((2, N, HH), jnp.float32),
            jax.ShapeDtypeStruct((N, 3 * H), jnp.float32),
        ],
    )(h, w, w_hh, b_hh2)


def _tc_b_body(agg1_ref, agg2_ref, h_ref, gh_ref, wih_ref, bih_ref, out_ref):
    r = pl.program_id(0)
    row = lax.broadcasted_iota(jnp.int32, (BR, HH), 0)
    tail = jnp.logical_and(r == TAILBLK, row >= TAILROW)
    lo = jnp.where(tail, agg2_ref[0], agg1_ref[0])
    hi = jnp.where(tail, agg2_ref[1], agg1_ref[1])
    agg = jnp.concatenate([lo, hi], axis=1)
    gi = lax.dot_general(agg, wih_ref[...], (((1,), (1,)), ((), ())),
                         preferred_element_type=jnp.float32)
    gi = gi + bih_ref[...]
    gh = gh_ref[...]
    h_blk = h_ref[...]
    i_r = gi[:, :H]
    i_z = gi[:, H:2 * H]
    i_n = gi[:, 2 * H:]
    h_r = gh[:, :H]
    h_z = gh[:, H:2 * H]
    h_n = gh[:, 2 * H:]
    r = jax.nn.sigmoid(i_r + h_r)
    z = jax.nn.sigmoid(i_z + h_z)
    n = jnp.tanh(i_n + r * h_n)
    out_ref[...] = (1.0 - z) * n + z * h_blk


def _tc_b(agg1, agg2, h, gh, w_ih, b_ih2):
    return pl.pallas_call(
        _tc_b_body,
        grid=(N // BR,),
        in_specs=[
            pl.BlockSpec((2, BR, HH), lambda r: (0, r, 0)),
            pl.BlockSpec((2, BR, HH), lambda r: (0, 0, 0)),
            pl.BlockSpec((BR, H), lambda r: (r, 0)),
            pl.BlockSpec((BR, 3 * H), lambda r: (r, 0)),
            pl.BlockSpec((3 * H, H), lambda r: (0, 0)),
            pl.BlockSpec((1, 3 * H), lambda r: (0, 0)),
        ],
        out_specs=pl.BlockSpec((BR, H), lambda r: (r, 0)),
        out_shape=jax.ShapeDtypeStruct((N, H), jnp.float32),
    )(agg1, agg2, h, gh, w_ih, b_ih2)


def _make_sc(nsp, out_rows):
    zrows = nsp // NTILES
    assert zrows % 8 == 0

    def body(m_hbm, srcx_hbm, dst_hbm, zeros_hbm, out_hbm,
             src_v, dst_v, buf0, buf1, agg_sh, sem0, sem1):
        c = lax.axis_index("c")
        s = lax.axis_index("s")
        pltpu.sync_copy(srcx_hbm.at[c, s], src_v)
        pltpu.sync_copy(dst_hbm.at[s], dst_v)
        pltpu.sync_copy(zeros_hbm.at[pl.ds(0, zrows)],
                        agg_sh.at[pl.ds(s * zrows, zrows)])
        plsc.subcore_barrier()

        pltpu.async_copy(m_hbm.at[src_v.at[0]], buf0, sem0)
        pltpu.async_copy(m_hbm.at[src_v.at[1]], buf1, sem1)

        def loop(j2, carry):
            j = j2 * 2
            pltpu.make_async_copy(m_hbm.at[src_v.at[j]], buf0, sem0).wait()
            pltpu.sync_copy(buf0, agg_sh.at[dst_v.at[j]], add=True)

            @pl.when(j2 < NCHUNK // 2 - 1)
            def _():
                pltpu.async_copy(m_hbm.at[src_v.at[j + 2]], buf0, sem0)

            pltpu.make_async_copy(m_hbm.at[src_v.at[j + 1]], buf1,
                                  sem1).wait()
            pltpu.sync_copy(buf1, agg_sh.at[dst_v.at[j + 1]], add=True)

            @pl.when(j2 < NCHUNK // 2 - 1)
            def _():
                pltpu.async_copy(m_hbm.at[src_v.at[j + 3]], buf1, sem1)

            return carry

        lax.fori_loop(0, NCHUNK // 2, loop, 0)
        plsc.subcore_barrier()
        pltpu.sync_copy(agg_sh.at[pl.ds(s * zrows, zrows)],
                        out_hbm.at[c, pl.ds(s * zrows, zrows)])

    return functools.partial(
        pl.kernel,
        out_type=jax.ShapeDtypeStruct((2, out_rows, HH), jnp.float32),
        mesh=plsc.VectorSubcoreMesh(core_axis_name="c", subcore_axis_name="s"),
        scratch_types=(
            [pltpu.VMEM((NCHUNK, CHUNK), jnp.int32) for _ in range(2)]
            + [pltpu.VMEM((CHUNK, HH), jnp.float32) for _ in range(2)]
            + [pltpu.VMEM_SHARED((nsp, HH), jnp.float32)]
            + [pltpu.SemaphoreType.DMA for _ in range(2)]
        ),
    )(body)


_sc_scatter1 = _make_sc(NSP1, OUT1)
_sc_scatter2 = _make_sc(NSP2, NSP2)


@jax.jit
def kernel(x, edge_index, weight, w_ih, w_hh, b_ih, b_hh):
    src = edge_index[0]
    dst = edge_index[1]
    npad = EPAD - E
    spread = jnp.arange(EPAD, dtype=jnp.int32) % NTILES
    src_p = jnp.concatenate(
        [src, jnp.arange(npad, dtype=jnp.int32) % NTILES])
    dst_p = jnp.concatenate(
        [dst, N + (jnp.arange(npad, dtype=jnp.int32) % NTILES)])
    src3 = src_p.reshape(NTILES, NCHUNK, CHUNK)
    srcx = jnp.stack([src3, src3 + N])
    dst1_3 = jnp.where(dst_p < R1, dst_p,
                       R1 + spread).reshape(NTILES, NCHUNK, CHUNK)
    dst2_3 = jnp.where(dst_p >= R1, dst_p - TAILOFF,
                       spread).reshape(NTILES, NCHUNK, CHUNK)
    zeros_blk = jnp.zeros((NSP1 // NTILES, HH), jnp.float32)
    b_ih2 = b_ih.reshape(1, 3 * H)
    b_hh2 = b_hh.reshape(1, 3 * H)

    h = x
    for i in range(L):
        m2, gh = _tc_a(h, weight[i], w_hh, b_hh2)
        m_flat = m2.reshape(2 * N, HH)
        agg1 = _sc_scatter1(m_flat, srcx, dst1_3, zeros_blk)
        agg2 = _sc_scatter2(m_flat, srcx, dst2_3, zeros_blk)
        h = _tc_b(agg1, agg2, h, gh, w_ih, b_ih2)
    return h

# --- scband reference (transcript-rebuilt; emitter-appended) ---
"""Pipeline reference for scband-modern-gnn-87522843558041 (READ-ONLY COPY).

The authoritative reference and input builder live on the scoring server;
editing this copy changes nothing except your own understanding.
"""

import jax, jax.numpy as jnp
import numpy as np

N = 10000
E = 160000
H = 256
L = 2


def setup_inputs(seed: int = 0) -> dict:
    key = jax.random.key(seed)
    ks = jax.random.split(key, 8)
    x = jax.random.normal(ks[0], (N, H), dtype=jnp.float32)
    edge_index = jax.random.randint(ks[1], (2, E), 0, N, dtype=jnp.int32)
    # GatedGraphConv parameters
    weight = jax.random.normal(ks[2], (L, H, H), dtype=jnp.float32) * (1.0 / np.sqrt(H))
    # GRUCell parameters (torch.nn.GRUCell layout: [3H, H] with r, z, n gates)
    w_ih = jax.random.normal(ks[3], (3 * H, H), dtype=jnp.float32) * (1.0 / np.sqrt(H))
    w_hh = jax.random.normal(ks[4], (3 * H, H), dtype=jnp.float32) * (1.0 / np.sqrt(H))
    b_ih = jax.random.normal(ks[5], (3 * H,), dtype=jnp.float32) * (1.0 / np.sqrt(H))
    b_hh = jax.random.normal(ks[6], (3 * H,), dtype=jnp.float32) * (1.0 / np.sqrt(H))
    return {"x": x, "edge_index": edge_index, "weight": weight,
            "w_ih": w_ih, "w_hh": w_hh, "b_ih": b_ih, "b_hh": b_hh}


def reference(x, edge_index, weight, w_ih, w_hh, b_ih, b_hh):
    # GatedGraphConv (GGNN), aggr='add':
    #   for each layer i: m = h @ W[i]; agg[dst] += m[src]; h = GRUCell(agg, h)
    src = edge_index[0]
    dst = edge_index[1]
    h = x
    for i in range(L):
        m = h @ weight[i]
        msgs = jnp.take(m, src, axis=0)           # gather messages from source nodes
        agg = jnp.zeros_like(h).at[dst].add(msgs)  # scatter-add to destination nodes
        # torch GRUCell
        gi = agg @ w_ih.T + b_ih
        gh = h @ w_hh.T + b_hh
        i_r, i_z, i_n = jnp.split(gi, 3, axis=-1)
        h_r, h_z, h_n = jnp.split(gh, 3, axis=-1)
        r = jax.nn.sigmoid(i_r + h_r)
        z = jax.nn.sigmoid(i_z + h_z)
        n = jnp.tanh(i_n + r * h_n)
        h = (1.0 - z) * n + z * h
    return h

if __name__ == "__main__":
    import jax
    _d = setup_inputs()
    print(jax.jit(kernel)(*tuple(_d.values())))

</pallas_src>

<mosaic_0001>
#map = affine_map<(d0, d1) -> (0, 0)>
#map1 = affine_map<(d0, d1) -> (0, 0, 0, 0)>
#map2 = affine_map<(d0, d1) -> (0, 0, 0)>
module attributes {stable_mosaic.version = 14 : i64} {
  func.func @body(%arg0: i32, %arg1: i32, %arg2: memref<20000x128xf32, #tpu.memory_space<hbm>>, %arg3: memref<2x16x80x128xi32, #tpu.memory_space<hbm>>, %arg4: memref<16x80x128xi32, #tpu.memory_space<hbm>>, %arg5: memref<608x128xf32, #tpu.memory_space<hbm>>, %arg6: memref<2x1024x128xf32, #tpu.memory_space<hbm>>, %arg7: memref<80x128xi32, #tpu.memory_space<vmem>>, %arg8: memref<80x128xi32, #tpu.memory_space<vmem>>, %arg9: memref<128x128xf32, #tpu.memory_space<vmem>>, %arg10: memref<128x128xf32, #tpu.memory_space<vmem>>, %arg11: memref<1024x128xf32, #tpu.memory_space<vmem_shared>>, %arg12: memref<!tpu.dma_semaphore, #tpu.memory_space<semaphore_mem>>, %arg13: memref<!tpu.dma_semaphore, #tpu.memory_space<semaphore_mem>>) attributes {dimension_semantics = [#tpu.dimension_semantics<core_parallel>, #tpu.dimension_semantics<subcore_parallel>], iteration_bounds = array<i64: 2, 16>, scalar_prefetch = 0 : i64, scratch_operands = 7 : i64, tpu.core_type = #tpu.core_type<sc_vector_subcore>, window_params = [{transform_indices = #map}, {transform_indices = #map1}, {transform_indices = #map2}, {transform_indices = #map}, {transform_indices = #map2}]} {
    "tpu.region"() ({
      %run_scoped3A = tpu.sem_alloc : memref<!tpu.dma_semaphore, #tpu.memory_space<semaphore_mem>>
      %dma_start3A_24 = arith.constant 0 : i32
      %dma_start3A_25 = arith.constant 0 : i32
      %dma_start3A_26 = tpu.memref_slice %arg3[%arg0, %arg1, %dma_start3A_24, %dma_start3A_25] : memref<2x16x80x128xi32, #tpu.memory_space<hbm>> -> memref<1x1x80x128xi32, #tpu.memory_space<hbm>>
      %dma_start3A_27 = tpu.memref_squeeze %dma_start3A_26 : memref<1x1x80x128xi32, #tpu.memory_space<hbm>> -> memref<80x128xi32, #tpu.memory_space<hbm>>
      %dma_start3A_28 = arith.constant 0 : i32
      %dma_start3A_29 = arith.constant 0 : i32
      %dma_start3A_30 = tpu.memref_slice %arg3[%arg0, %arg1, %dma_start3A_28, %dma_start3A_29] : memref<2x16x80x128xi32, #tpu.memory_space<hbm>> -> memref<1x1x80x128xi32, #tpu.memory_space<hbm>>
      %dma_start3A_31 = tpu.memref_squeeze %dma_start3A_30 : memref<1x1x80x128xi32, #tpu.memory_space<hbm>> -> memref<80x128xi32, #tpu.memory_space<hbm>>
      tpu.enqueue_dma source(%dma_start3A_31 : memref<80x128xi32, #tpu.memory_space<hbm>>) target(%arg7 : memref<80x128xi32, #tpu.memory_space<vmem>>) target_semaphore(%run_scoped3A : memref<!tpu.dma_semaphore, #tpu.memory_space<semaphore_mem>>)
      %dma_wait3A = arith.constant 0 : i32
      %dma_wait3A_32 = arith.constant 0 : i32
      %dma_wait3A_33 = tpu.memref_slice %arg3[%arg0, %arg1, %dma_wait3A, %dma_wait3A_32] : memref<2x16x80x128xi32, #tpu.memory_space<hbm>> -> memref<1x1x80x128xi32, #tpu.memory_space<hbm>>
      %dma_wait3A_34 = tpu.memref_squeeze %dma_wait3A_33 : memref<1x1x80x128xi32, #tpu.memory_space<hbm>> -> memref<80x128xi32, #tpu.memory_space<hbm>>
      %dma_wait3A_35 = arith.constant 0 : i32
      %dma_wait3A_36 = arith.constant 0 : i32
      %dma_wait3A_37 = tpu.memref_slice %arg3[%arg0, %arg1, %dma_wait3A_35, %dma_wait3A_36] : memref<2x16x80x128xi32, #tpu.memory_space<hbm>> -> memref<1x1x80x128xi32, #tpu.memory_space<hbm>>
      %dma_wait3A_38 = tpu.memref_squeeze %dma_wait3A_37 : memref<1x1x80x128xi32, #tpu.memory_space<hbm>> -> memref<80x128xi32, #tpu.memory_space<hbm>>
      tpu.wait_dma2 semaphore(%run_scoped3A : memref<!tpu.dma_semaphore, #tpu.memory_space<semaphore_mem>>) src(%dma_wait3A_38 : memref<80x128xi32, #tpu.memory_space<hbm>>) dst(%arg7 : memref<80x128xi32, #tpu.memory_space<vmem>>)
      tpu.yield
    }) : () -> ()
    "tpu.region"() ({
      %run_scoped3A = tpu.sem_alloc : memref<!tpu.dma_semaphore, #tpu.memory_space<semaphore_mem>>
      %dma_start3A_24 = arith.constant 0 : i32
      %dma_start3A_25 = arith.constant 0 : i32
      %dma_start3A_26 = tpu.memref_slice %arg4[%arg1, %dma_start3A_24, %dma_start3A_25] : memref<16x80x128xi32, #tpu.memory_space<hbm>> -> memref<1x80x128xi32, #tpu.memory_space<hbm>>
      %dma_start3A_27 = tpu.memref_squeeze %dma_start3A_26 : memref<1x80x128xi32, #tpu.memory_space<hbm>> -> memref<80x128xi32, #tpu.memory_space<hbm>>
      %dma_start3A_28 = arith.constant 0 : i32
      %dma_start3A_29 = arith.constant 0 : i32
      %dma_start3A_30 = tpu.memref_slice %arg4[%arg1, %dma_start3A_28, %dma_start3A_29] : memref<16x80x128xi32, #tpu.memory_space<hbm>> -> memref<1x80x128xi32, #tpu.memory_space<hbm>>
      %dma_start3A_31 = tpu.memref_squeeze %dma_start3A_30 : memref<1x80x128xi32, #tpu.memory_space<hbm>> -> memref<80x128xi32, #tpu.memory_space<hbm>>
      tpu.enqueue_dma source(%dma_start3A_31 : memref<80x128xi32, #tpu.memory_space<hbm>>) target(%arg8 : memref<80x128xi32, #tpu.memory_space<vmem>>) target_semaphore(%run_scoped3A : memref<!tpu.dma_semaphore, #tpu.memory_space<semaphore_mem>>)
      %dma_wait3A = arith.constant 0 : i32
      %dma_wait3A_32 = arith.constant 0 : i32
      %dma_wait3A_33 = tpu.memref_slice %arg4[%arg1, %dma_wait3A, %dma_wait3A_32] : memref<16x80x128xi32, #tpu.memory_space<hbm>> -> memref<1x80x128xi32, #tpu.memory_space<hbm>>
      %dma_wait3A_34 = tpu.memref_squeeze %dma_wait3A_33 : memref<1x80x128xi32, #tpu.memory_space<hbm>> -> memref<80x128xi32, #tpu.memory_space<hbm>>
      %dma_wait3A_35 = arith.constant 0 : i32
      %dma_wait3A_36 = arith.constant 0 : i32
      %dma_wait3A_37 = tpu.memref_slice %arg4[%arg1, %dma_wait3A_35, %dma_wait3A_36] : memref<16x80x128xi32, #tpu.memory_space<hbm>> -> memref<1x80x128xi32, #tpu.memory_space<hbm>>
      %dma_wait3A_38 = tpu.memref_squeeze %dma_wait3A_37 : memref<1x80x128xi32, #tpu.memory_space<hbm>> -> memref<80x128xi32, #tpu.memory_space<hbm>>
      tpu.wait_dma2 semaphore(%run_scoped3A : memref<!tpu.dma_semaphore, #tpu.memory_space<semaphore_mem>>) src(%dma_wait3A_38 : memref<80x128xi32, #tpu.memory_space<hbm>>) dst(%arg8 : memref<80x128xi32, #tpu.memory_space<vmem>>)
      tpu.yield
    }) : () -> ()
    %mul3A = arith.constant 64 : i32
    %mul3A_0 = arith.muli %arg1, %mul3A : i32
    "tpu.region"() ({
      %run_scoped3A = tpu.sem_alloc : memref<!tpu.dma_semaphore, #tpu.memory_space<semaphore_mem>>
      %dma_start3A_24 = arith.constant 0 : i32
      %dma_start3A_25 = tpu.memref_slice %arg11[%mul3A_0, %dma_start3A_24] : memref<1024x128xf32, #tpu.memory_space<vmem_shared>> -> memref<64x128xf32, #tpu.memory_space<vmem_shared>>
      %dma_start3A_26 = arith.constant 0 : i32
      %dma_start3A_27 = arith.constant 0 : i32
      %dma_start3A_28 = tpu.memref_slice %arg5[%dma_start3A_26, %dma_start3A_27] : memref<608x128xf32, #tpu.memory_space<hbm>> -> memref<64x128xf32, #tpu.memory_space<hbm>>
      tpu.enqueue_dma source(%dma_start3A_28 : memref<64x128xf32, #tpu.memory_space<hbm>>) target(%dma_start3A_25 : memref<64x128xf32, #tpu.memory_space<vmem_shared>>) target_semaphore(%run_scoped3A : memref<!tpu.dma_semaphore, #tpu.memory_space<semaphore_mem>>)
      %dma_wait3A = arith.constant 0 : i32
      %dma_wait3A_29 = tpu.memref_slice %arg11[%mul3A_0, %dma_wait3A] : memref<1024x128xf32, #tpu.memory_space<vmem_shared>> -> memref<64x128xf32, #tpu.memory_space<vmem_shared>>
      %dma_wait3A_30 = arith.constant 0 : i32
      %dma_wait3A_31 = arith.constant 0 : i32
      %dma_wait3A_32 = tpu.memref_slice %arg5[%dma_wait3A_30, %dma_wait3A_31] : memref<608x128xf32, #tpu.memory_space<hbm>> -> memref<64x128xf32, #tpu.memory_space<hbm>>
      tpu.wait_dma2 semaphore(%run_scoped3A : memref<!tpu.dma_semaphore, #tpu.memory_space<semaphore_mem>>) src(%dma_wait3A_32 : memref<64x128xf32, #tpu.memory_space<hbm>>) dst(%dma_wait3A_29 : memref<64x128xf32, #tpu.memory_space<vmem_shared>>)
      tpu.yield
    }) : () -> ()
    %barrier3A = arith.constant 0 : index
    tpu.barrier barrier_id(%barrier3A)
    %dma_start3A = arith.constant 0 : i32
    %dma_start3A_1 = arith.constant 0 : i32
    %dma_start3A_2 = tpu.memref_slice %arg7[%dma_start3A, %dma_start3A_1] : memref<80x128xi32, #tpu.memory_space<vmem>> -> memref<1x128xi32, #tpu.memory_space<vmem>>
    %dma_start3A_3 = tpu.memref_squeeze %dma_start3A_2 : memref<1x128xi32, #tpu.memory_space<vmem>> -> memref<128xi32, #tpu.memory_space<vmem>>
    %dma_start3A_4 = arith.constant 0 : i32
    %dma_start3A_5 = arith.constant 0 : i32
    %dma_start3A_6 = tpu.memref_slice %arg2[%dma_start3A_4, %dma_start3A_5] : memref<20000x128xf32, #tpu.memory_space<hbm>> -> memref<20000x128xf32, #tpu.memory_space<hbm>>
    tpu.enqueue_indirect_dma source(%dma_start3A_6 : memref<20000x128xf32, #tpu.memory_space<hbm>>) target(%arg9 : memref<128x128xf32, #tpu.memory_space<vmem>>) offsets(%dma_start3A_3 : memref<128xi32, #tpu.memory_space<vmem>>) semaphore(%arg12 : memref<!tpu.dma_semaphore, #tpu.memory_space<semaphore_mem>>)
    %dma_start3A_7 = arith.constant 1 : i32
    %dma_start3A_8 = arith.constant 0 : i32
    %dma_start3A_9 = tpu.memref_slice %arg7[%dma_start3A_7, %dma_start3A_8] : memref<80x128xi32, #tpu.memory_space<vmem>> -> memref<1x128xi32, #tpu.memory_space<vmem>>
    %dma_start3A_10 = tpu.memref_squeeze %dma_start3A_9 : memref<1x128xi32, #tpu.memory_space<vmem>> -> memref<128xi32, #tpu.memory_space<vmem>>
    %dma_start3A_11 = arith.constant 0 : i32
    %dma_start3A_12 = arith.constant 0 : i32
    %dma_start3A_13 = tpu.memref_slice %arg2[%dma_start3A_11, %dma_start3A_12] : memref<20000x128xf32, #tpu.memory_space<hbm>> -> memref<20000x128xf32, #tpu.memory_space<hbm>>
    tpu.enqueue_indirect_dma source(%dma_start3A_13 : memref<20000x128xf32, #tpu.memory_space<hbm>>) target(%arg10 : memref<128x128xf32, #tpu.memory_space<vmem>>) offsets(%dma_start3A_10 : memref<128xi32, #tpu.memory_space<vmem>>) semaphore(%arg13 : memref<!tpu.dma_semaphore, #tpu.memory_space<semaphore_mem>>)
    %scan3A = arith.constant 0 : i32
    %scan3A_14 = arith.constant 0 : i32
    %scan3A_15 = arith.constant 40 : i32
    %scan3A_16 = arith.addi %scan3A_14, %scan3A_15 : i32
    %scan3A_17 = arith.constant 1 : i32
    scf.for %scan3A_24 = %scan3A_14 to %scan3A_16 step %scan3A_17  : i32 {
      %mul3A_25 = arith.constant 2 : i32
      %mul3A_26 = arith.muli %scan3A_24, %mul3A_25 : i32
      %dma_wait3A = arith.constant 0 : i32
      %dma_wait3A_27 = tpu.memref_slice %arg7[%mul3A_26, %dma_wait3A] : memref<80x128xi32, #tpu.memory_space<vmem>> -> memref<1x128xi32, #tpu.memory_space<vmem>>
      %dma_wait3A_28 = tpu.memref_squeeze %dma_wait3A_27 : memref<1x128xi32, #tpu.memory_space<vmem>> -> memref<128xi32, #tpu.memory_space<vmem>>
      %dma_wait3A_29 = arith.constant 0 : i32
      %dma_wait3A_30 = arith.constant 0 : i32
      %dma_wait3A_31 = tpu.memref_slice %arg2[%dma_wait3A_29, %dma_wait3A_30] : memref<20000x128xf32, #tpu.memory_space<hbm>> -> memref<20000x128xf32, #tpu.memory_space<hbm>>
      tpu.wait_indirect_dma semaphore(%arg12 : memref<!tpu.dma_semaphore, #tpu.memory_space<semaphore_mem>>) src(%dma_wait3A_31 : memref<20000x128xf32, #tpu.memory_space<hbm>>) dst(%arg9 : memref<128x128xf32, #tpu.memory_space<vmem>>)
      "tpu.region"() ({
        %run_scoped3A = tpu.sem_alloc : memref<!tpu.dma_semaphore, #tpu.memory_space<semaphore_mem>>
        %dma_start3A_48 = arith.constant 0 : i32
        %dma_start3A_49 = tpu.memref_slice %arg8[%mul3A_26, %dma_start3A_48] : memref<80x128xi32, #tpu.memory_space<vmem>> -> memref<1x128xi32, #tpu.memory_space<vmem>>
        %dma_start3A_50 = tpu.memref_squeeze %dma_start3A_49 : memref<1x128xi32, #tpu.memory_space<vmem>> -> memref<128xi32, #tpu.memory_space<vmem>>
        %dma_start3A_51 = arith.constant 0 : i32
        %dma_start3A_52 = arith.constant 0 : i32
        %dma_start3A_53 = tpu.memref_slice %arg11[%dma_start3A_51, %dma_start3A_52] : memref<1024x128xf32, #tpu.memory_space<vmem_shared>> -> memref<1024x128xf32, #tpu.memory_space<vmem_shared>>
        tpu.enqueue_indirect_dma source(%arg9 : memref<128x128xf32, #tpu.memory_space<vmem>>) target(%dma_start3A_53 : memref<1024x128xf32, #tpu.memory_space<vmem_shared>>) offsets(%dma_start3A_50 : memref<128xi32, #tpu.memory_space<vmem>>) semaphore(%run_scoped3A : memref<!tpu.dma_semaphore, #tpu.memory_space<semaphore_mem>>) {add = true}
        %dma_wait3A_54 = arith.constant 0 : i32
        %dma_wait3A_55 = tpu.memref_slice %arg8[%mul3A_26, %dma_wait3A_54] : memref<80x128xi32, #tpu.memory_space<vmem>> -> memref<1x128xi32, #tpu.memory_space<vmem>>
        %dma_wait3A_56 = tpu.memref_squeeze %dma_wait3A_55 : memref<1x128xi32, #tpu.memory_space<vmem>> -> memref<128xi32, #tpu.memory_space<vmem>>
        %dma_wait3A_57 = arith.constant 0 : i32
        %dma_wait3A_58 = arith.constant 0 : i32
        %dma_wait3A_59 = tpu.memref_slice %arg11[%dma_wait3A_57, %dma_wait3A_58] : memref<1024x128xf32, #tpu.memory_space<vmem_shared>> -> memref<1024x128xf32, #tpu.memory_space<vmem_shared>>
        tpu.wait_indirect_dma semaphore(%run_scoped3A : memref<!tpu.dma_semaphore, #tpu.memory_space<semaphore_mem>>) src(%arg9 : memref<128x128xf32, #tpu.memory_space<vmem>>) dst(%dma_wait3A_59 : memref<1024x128xf32, #tpu.memory_space<vmem_shared>>)
        tpu.yield
      }) : () -> ()
      %lt3A = arith.constant 39 : i32
      %lt3A_32 = arith.cmpi slt, %scan3A_24, %lt3A : i32
      %convert_element_type3A = arith.extui %lt3A_32 : i1 to i32
      %cond3A = arith.constant 0 : i32
      %cond3A_33 = arith.cmpi ne, %convert_element_type3A, %cond3A : i32
      scf.if %cond3A_33 {
        %add3A_48 = arith.constant 2 : i32
        %add3A_49 = arith.addi %mul3A_26, %add3A_48 : i32
        %dma_start3A_50 = arith.constant 0 : i32
        %dma_start3A_51 = tpu.memref_slice %arg7[%add3A_49, %dma_start3A_50] : memref<80x128xi32, #tpu.memory_space<vmem>> -> memref<1x128xi32, #tpu.memory_space<vmem>>
        %dma_start3A_52 = tpu.memref_squeeze %dma_start3A_51 : memref<1x128xi32, #tpu.memory_space<vmem>> -> memref<128xi32, #tpu.memory_space<vmem>>
        %dma_start3A_53 = arith.constant 0 : i32
        %dma_start3A_54 = arith.constant 0 : i32
        %dma_start3A_55 = tpu.memref_slice %arg2[%dma_start3A_53, %dma_start3A_54] : memref<20000x128xf32, #tpu.memory_space<hbm>> -> memref<20000x128xf32, #tpu.memory_space<hbm>>
        tpu.enqueue_indirect_dma source(%dma_start3A_55 : memref<20000x128xf32, #tpu.memory_space<hbm>>) target(%arg9 : memref<128x128xf32, #tpu.memory_space<vmem>>) offsets(%dma_start3A_52 : memref<128xi32, #tpu.memory_space<vmem>>) semaphore(%arg12 : memref<!tpu.dma_semaphore, #tpu.memory_space<semaphore_mem>>)
      } else {
      }
      %add3A = arith.constant 1 : i32
      %add3A_34 = arith.addi %mul3A_26, %add3A : i32
      %dma_wait3A_35 = arith.constant 0 : i32
      %dma_wait3A_36 = tpu.memref_slice %arg7[%add3A_34, %dma_wait3A_35] : memref<80x128xi32, #tpu.memory_space<vmem>> -> memref<1x128xi32, #tpu.memory_space<vmem>>
      %dma_wait3A_37 = tpu.memref_squeeze %dma_wait3A_36 : memref<1x128xi32, #tpu.memory_space<vmem>> -> memref<128xi32, #tpu.memory_space<vmem>>
      %dma_wait3A_38 = arith.constant 0 : i32
      %dma_wait3A_39 = arith.constant 0 : i32
      %dma_wait3A_40 = tpu.memref_slice %arg2[%dma_wait3A_38, %dma_wait3A_39] : memref<20000x128xf32, #tpu.memory_space<hbm>> -> memref<20000x128xf32, #tpu.memory_space<hbm>>
      tpu.wait_indirect_dma semaphore(%arg13 : memref<!tpu.dma_semaphore, #tpu.memory_space<semaphore_mem>>) src(%dma_wait3A_40 : memref<20000x128xf32, #tpu.memory_space<hbm>>) dst(%arg10 : memref<128x128xf32, #tpu.memory_space<vmem>>)
      %add3A_41 = arith.constant 1 : i32
      %add3A_42 = arith.addi %mul3A_26, %add3A_41 : i32
      "tpu.region"() ({
        %run_scoped3A = tpu.sem_alloc : memref<!tpu.dma_semaphore, #tpu.memory_space<semaphore_mem>>
        %dma_start3A_48 = arith.constant 0 : i32
        %dma_start3A_49 = tpu.memref_slice %arg8[%add3A_42, %dma_start3A_48] : memref<80x128xi32, #tpu.memory_space<vmem>> -> memref<1x128xi32, #tpu.memory_space<vmem>>
        %dma_start3A_50 = tpu.memref_squeeze %dma_start3A_49 : memref<1x128xi32, #tpu.memory_space<vmem>> -> memref<128xi32, #tpu.memory_space<vmem>>
        %dma_start3A_51 = arith.constant 0 : i32
        %dma_start3A_52 = arith.constant 0 : i32
        %dma_start3A_53 = tpu.memref_slice %arg11[%dma_start3A_51, %dma_start3A_52] : memref<1024x128xf32, #tpu.memory_space<vmem_shared>> -> memref<1024x128xf32, #tpu.memory_space<vmem_shared>>
        tpu.enqueue_indirect_dma source(%arg10 : memref<128x128xf32, #tpu.memory_space<vmem>>) target(%dma_start3A_53 : memref<1024x128xf32, #tpu.memory_space<vmem_shared>>) offsets(%dma_start3A_50 : memref<128xi32, #tpu.memory_space<vmem>>) semaphore(%run_scoped3A : memref<!tpu.dma_semaphore, #tpu.memory_space<semaphore_mem>>) {add = true}
        %dma_wait3A_54 = arith.constant 0 : i32
        %dma_wait3A_55 = tpu.memref_slice %arg8[%add3A_42, %dma_wait3A_54] : memref<80x128xi32, #tpu.memory_space<vmem>> -> memref<1x128xi32, #tpu.memory_space<vmem>>
        %dma_wait3A_56 = tpu.memref_squeeze %dma_wait3A_55 : memref<1x128xi32, #tpu.memory_space<vmem>> -> memref<128xi32, #tpu.memory_space<vmem>>
        %dma_wait3A_57 = arith.constant 0 : i32
        %dma_wait3A_58 = arith.constant 0 : i32
        %dma_wait3A_59 = tpu.memref_slice %arg11[%dma_wait3A_57, %dma_wait3A_58] : memref<1024x128xf32, #tpu.memory_space<vmem_shared>> -> memref<1024x128xf32, #tpu.memory_space<vmem_shared>>
        tpu.wait_indirect_dma semaphore(%run_scoped3A : memref<!tpu.dma_semaphore, #tpu.memory_space<semaphore_mem>>) src(%arg10 : memref<128x128xf32, #tpu.memory_space<vmem>>) dst(%dma_wait3A_59 : memref<1024x128xf32, #tpu.memory_space<vmem_shared>>)
        tpu.yield
      }) : () -> ()
      %lt3A_43 = arith.constant 39 : i32
      %lt3A_44 = arith.cmpi slt, %scan3A_24, %lt3A_43 : i32
      %convert_element_type3A_45 = arith.extui %lt3A_44 : i1 to i32
      %cond3A_46 = arith.constant 0 : i32
      %cond3A_47 = arith.cmpi ne, %convert_element_type3A_45, %cond3A_46 : i32
      scf.if %cond3A_47 {
        %add3A_48 = arith.constant 3 : i32
        %add3A_49 = arith.addi %mul3A_26, %add3A_48 : i32
        %dma_start3A_50 = arith.constant 0 : i32
        %dma_start3A_51 = tpu.memref_slice %arg7[%add3A_49, %dma_start3A_50] : memref<80x128xi32, #tpu.memory_space<vmem>> -> memref<1x128xi32, #tpu.memory_space<vmem>>
        %dma_start3A_52 = tpu.memref_squeeze %dma_start3A_51 : memref<1x128xi32, #tpu.memory_space<vmem>> -> memref<128xi32, #tpu.memory_space<vmem>>
        %dma_start3A_53 = arith.constant 0 : i32
        %dma_start3A_54 = arith.constant 0 : i32
        %dma_start3A_55 = tpu.memref_slice %arg2[%dma_start3A_53, %dma_start3A_54] : memref<20000x128xf32, #tpu.memory_space<hbm>> -> memref<20000x128xf32, #tpu.memory_space<hbm>>
        tpu.enqueue_indirect_dma source(%dma_start3A_55 : memref<20000x128xf32, #tpu.memory_space<hbm>>) target(%arg10 : memref<128x128xf32, #tpu.memory_space<vmem>>) offsets(%dma_start3A_52 : memref<128xi32, #tpu.memory_space<vmem>>) semaphore(%arg13 : memref<!tpu.dma_semaphore, #tpu.memory_space<semaphore_mem>>)
      } else {
      }
    }
    %scan3A_18 = arith.constant 40 : i32
    %barrier3A_19 = arith.constant 0 : index
    tpu.barrier barrier_id(%barrier3A_19)
    %mul3A_20 = arith.constant 64 : i32
    %mul3A_21 = arith.muli %arg1, %mul3A_20 : i32
    %mul3A_22 = arith.constant 64 : i32
    %mul3A_23 = arith.muli %arg1, %mul3A_22 : i32
    "tpu.region"() ({
      %run_scoped3A = tpu.sem_alloc : memref<!tpu.dma_semaphore, #tpu.memory_space<semaphore_mem>>
      %dma_start3A_24 = arith.constant 0 : i32
      %dma_start3A_25 = tpu.memref_slice %arg6[%arg0, %mul3A_23, %dma_start3A_24] : memref<2x1024x128xf32, #tpu.memory_space<hbm>> -> memref<1x64x128xf32, #tpu.memory_space<hbm>>
      %dma_start3A_26 = tpu.memref_squeeze %dma_start3A_25 : memref<1x64x128xf32, #tpu.memory_space<hbm>> -> memref<64x128xf32, #tpu.memory_space<hbm>>
      %dma_start3A_27 = arith.constant 0 : i32
      %dma_start3A_28 = tpu.memref_slice %arg11[%mul3A_21, %dma_start3A_27] : memref<1024x128xf32, #tpu.memory_space<vmem_shared>> -> memref<64x128xf32, #tpu.memory_space<vmem_shared>>
      tpu.enqueue_dma source(%dma_start3A_28 : memref<64x128xf32, #tpu.memory_space<vmem_shared>>) target(%dma_start3A_26 : memref<64x128xf32, #tpu.memory_space<hbm>>) target_semaphore(%run_scoped3A : memref<!tpu.dma_semaphore, #tpu.memory_space<semaphore_mem>>)
      %dma_wait3A = arith.constant 0 : i32
      %dma_wait3A_29 = tpu.memref_slice %arg6[%arg0, %mul3A_23, %dma_wait3A] : memref<2x1024x128xf32, #tpu.memory_space<hbm>> -> memref<1x64x128xf32, #tpu.memory_space<hbm>>
      %dma_wait3A_30 = tpu.memref_squeeze %dma_wait3A_29 : memref<1x64x128xf32, #tpu.memory_space<hbm>> -> memref<64x128xf32, #tpu.memory_space<hbm>>
      %dma_wait3A_31 = arith.constant 0 : i32
      %dma_wait3A_32 = tpu.memref_slice %arg11[%mul3A_21, %dma_wait3A_31] : memref<1024x128xf32, #tpu.memory_space<vmem_shared>> -> memref<64x128xf32, #tpu.memory_space<vmem_shared>>
      tpu.wait_dma2 semaphore(%run_scoped3A : memref<!tpu.dma_semaphore, #tpu.memory_space<semaphore_mem>>) src(%dma_wait3A_32 : memref<64x128xf32, #tpu.memory_space<vmem_shared>>) dst(%dma_wait3A_30 : memref<64x128xf32, #tpu.memory_space<hbm>>)
      tpu.yield
    }) : () -> ()
    return
  }
}

#map = affine_map<(d0, d1) -> (0, 0)>
#map1 = affine_map<(d0, d1) -> (0, 0, 0, 0)>
#map2 = affine_map<(d0, d1) -> (0, 0, 0)>
module attributes {stable_mosaic.version = 14 : i64} {
  func.func @body(%arg0: i32, %arg1: i32, %arg2: memref<20000x128xf32, #tpu.memory_space<hbm>>, %arg3: memref<2x16x80x128xi32, #tpu.memory_space<hbm>>, %arg4: memref<16x80x128xi32, #tpu.memory_space<hbm>>, %arg5: memref<608x128xf32, #tpu.memory_space<hbm>>, %arg6: memref<2x10240x128xf32, #tpu.memory_space<hbm>>, %arg7: memref<80x128xi32, #tpu.memory_space<vmem>>, %arg8: memref<80x128xi32, #tpu.memory_space<vmem>>, %arg9: memref<128x128xf32, #tpu.memory_space<vmem>>, %arg10: memref<128x128xf32, #tpu.memory_space<vmem>>, %arg11: memref<9728x128xf32, #tpu.memory_space<vmem_shared>>, %arg12: memref<!tpu.dma_semaphore, #tpu.memory_space<semaphore_mem>>, %arg13: memref<!tpu.dma_semaphore, #tpu.memory_space<semaphore_mem>>) attributes {dimension_semantics = [#tpu.dimension_semantics<core_parallel>, #tpu.dimension_semantics<subcore_parallel>], iteration_bounds = array<i64: 2, 16>, scalar_prefetch = 0 : i64, scratch_operands = 7 : i64, tpu.core_type = #tpu.core_type<sc_vector_subcore>, window_params = [{transform_indices = #map}, {transform_indices = #map1}, {transform_indices = #map2}, {transform_indices = #map}, {transform_indices = #map2}]} {
    "tpu.region"() ({
      %run_scoped3A = tpu.sem_alloc : memref<!tpu.dma_semaphore, #tpu.memory_space<semaphore_mem>>
      %dma_start3A_24 = arith.constant 0 : i32
      %dma_start3A_25 = arith.constant 0 : i32
      %dma_start3A_26 = tpu.memref_slice %arg3[%arg0, %arg1, %dma_start3A_24, %dma_start3A_25] : memref<2x16x80x128xi32, #tpu.memory_space<hbm>> -> memref<1x1x80x128xi32, #tpu.memory_space<hbm>>
      %dma_start3A_27 = tpu.memref_squeeze %dma_start3A_26 : memref<1x1x80x128xi32, #tpu.memory_space<hbm>> -> memref<80x128xi32, #tpu.memory_space<hbm>>
      %dma_start3A_28 = arith.constant 0 : i32
      %dma_start3A_29 = arith.constant 0 : i32
      %dma_start3A_30 = tpu.memref_slice %arg3[%arg0, %arg1, %dma_start3A_28, %dma_start3A_29] : memref<2x16x80x128xi32, #tpu.memory_space<hbm>> -> memref<1x1x80x128xi32, #tpu.memory_space<hbm>>
      %dma_start3A_31 = tpu.memref_squeeze %dma_start3A_30 : memref<1x1x80x128xi32, #tpu.memory_space<hbm>> -> memref<80x128xi32, #tpu.memory_space<hbm>>
      tpu.enqueue_dma source(%dma_start3A_31 : memref<80x128xi32, #tpu.memory_space<hbm>>) target(%arg7 : memref<80x128xi32, #tpu.memory_space<vmem>>) target_semaphore(%run_scoped3A : memref<!tpu.dma_semaphore, #tpu.memory_space<semaphore_mem>>)
      %dma_wait3A = arith.constant 0 : i32
      %dma_wait3A_32 = arith.constant 0 : i32
      %dma_wait3A_33 = tpu.memref_slice %arg3[%arg0, %arg1, %dma_wait3A, %dma_wait3A_32] : memref<2x16x80x128xi32, #tpu.memory_space<hbm>> -> memref<1x1x80x128xi32, #tpu.memory_space<hbm>>
      %dma_wait3A_34 = tpu.memref_squeeze %dma_wait3A_33 : memref<1x1x80x128xi32, #tpu.memory_space<hbm>> -> memref<80x128xi32, #tpu.memory_space<hbm>>
      %dma_wait3A_35 = arith.constant 0 : i32
      %dma_wait3A_36 = arith.constant 0 : i32
      %dma_wait3A_37 = tpu.memref_slice %arg3[%arg0, %arg1, %dma_wait3A_35, %dma_wait3A_36] : memref<2x16x80x128xi32, #tpu.memory_space<hbm>> -> memref<1x1x80x128xi32, #tpu.memory_space<hbm>>
      %dma_wait3A_38 = tpu.memref_squeeze %dma_wait3A_37 : memref<1x1x80x128xi32, #tpu.memory_space<hbm>> -> memref<80x128xi32, #tpu.memory_space<hbm>>
      tpu.wait_dma2 semaphore(%run_scoped3A : memref<!tpu.dma_semaphore, #tpu.memory_space<semaphore_mem>>) src(%dma_wait3A_38 : memref<80x128xi32, #tpu.memory_space<hbm>>) dst(%arg7 : memref<80x128xi32, #tpu.memory_space<vmem>>)
      tpu.yield
    }) : () -> ()
    "tpu.region"() ({
      %run_scoped3A = tpu.sem_alloc : memref<!tpu.dma_semaphore, #tpu.memory_space<semaphore_mem>>
      %dma_start3A_24 = arith.constant 0 : i32
      %dma_start3A_25 = arith.constant 0 : i32
      %dma_start3A_26 = tpu.memref_slice %arg4[%arg1, %dma_start3A_24, %dma_start3A_25] : memref<16x80x128xi32, #tpu.memory_space<hbm>> -> memref<1x80x128xi32, #tpu.memory_space<hbm>>
      %dma_start3A_27 = tpu.memref_squeeze %dma_start3A_26 : memref<1x80x128xi32, #tpu.memory_space<hbm>> -> memref<80x128xi32, #tpu.memory_space<hbm>>
      %dma_start3A_28 = arith.constant 0 : i32
      %dma_start3A_29 = arith.constant 0 : i32
      %dma_start3A_30 = tpu.memref_slice %arg4[%arg1, %dma_start3A_28, %dma_start3A_29] : memref<16x80x128xi32, #tpu.memory_space<hbm>> -> memref<1x80x128xi32, #tpu.memory_space<hbm>>
      %dma_start3A_31 = tpu.memref_squeeze %dma_start3A_30 : memref<1x80x128xi32, #tpu.memory_space<hbm>> -> memref<80x128xi32, #tpu.memory_space<hbm>>
      tpu.enqueue_dma source(%dma_start3A_31 : memref<80x128xi32, #tpu.memory_space<hbm>>) target(%arg8 : memref<80x128xi32, #tpu.memory_space<vmem>>) target_semaphore(%run_scoped3A : memref<!tpu.dma_semaphore, #tpu.memory_space<semaphore_mem>>)
      %dma_wait3A = arith.constant 0 : i32
      %dma_wait3A_32 = arith.constant 0 : i32
      %dma_wait3A_33 = tpu.memref_slice %arg4[%arg1, %dma_wait3A, %dma_wait3A_32] : memref<16x80x128xi32, #tpu.memory_space<hbm>> -> memref<1x80x128xi32, #tpu.memory_space<hbm>>
      %dma_wait3A_34 = tpu.memref_squeeze %dma_wait3A_33 : memref<1x80x128xi32, #tpu.memory_space<hbm>> -> memref<80x128xi32, #tpu.memory_space<hbm>>
      %dma_wait3A_35 = arith.constant 0 : i32
      %dma_wait3A_36 = arith.constant 0 : i32
      %dma_wait3A_37 = tpu.memref_slice %arg4[%arg1, %dma_wait3A_35, %dma_wait3A_36] : memref<16x80x128xi32, #tpu.memory_space<hbm>> -> memref<1x80x128xi32, #tpu.memory_space<hbm>>
      %dma_wait3A_38 = tpu.memref_squeeze %dma_wait3A_37 : memref<1x80x128xi32, #tpu.memory_space<hbm>> -> memref<80x128xi32, #tpu.memory_space<hbm>>
      tpu.wait_dma2 semaphore(%run_scoped3A : memref<!tpu.dma_semaphore, #tpu.memory_space<semaphore_mem>>) src(%dma_wait3A_38 : memref<80x128xi32, #tpu.memory_space<hbm>>) dst(%arg8 : memref<80x128xi32, #tpu.memory_space<vmem>>)
      tpu.yield
    }) : () -> ()
    %mul3A = arith.constant 608 : i32
    %mul3A_0 = arith.muli %arg1, %mul3A : i32
    "tpu.region"() ({
      %run_scoped3A = tpu.sem_alloc : memref<!tpu.dma_semaphore, #tpu.memory_space<semaphore_mem>>
      %dma_start3A_24 = arith.constant 0 : i32
      %dma_start3A_25 = tpu.memref_slice %arg11[%mul3A_0, %dma_start3A_24] : memref<9728x128xf32, #tpu.memory_space<vmem_shared>> -> memref<608x128xf32, #tpu.memory_space<vmem_shared>>
      %dma_start3A_26 = arith.constant 0 : i32
      %dma_start3A_27 = arith.constant 0 : i32
      %dma_start3A_28 = tpu.memref_slice %arg5[%dma_start3A_26, %dma_start3A_27] : memref<608x128xf32, #tpu.memory_space<hbm>> -> memref<608x128xf32, #tpu.memory_space<hbm>>
      tpu.enqueue_dma source(%dma_start3A_28 : memref<608x128xf32, #tpu.memory_space<hbm>>) target(%dma_start3A_25 : memref<608x128xf32, #tpu.memory_space<vmem_shared>>) target_semaphore(%run_scoped3A : memref<!tpu.dma_semaphore, #tpu.memory_space<semaphore_mem>>)
      %dma_wait3A = arith.constant 0 : i32
      %dma_wait3A_29 = tpu.memref_slice %arg11[%mul3A_0, %dma_wait3A] : memref<9728x128xf32, #tpu.memory_space<vmem_shared>> -> memref<608x128xf32, #tpu.memory_space<vmem_shared>>
      %dma_wait3A_30 = arith.constant 0 : i32
      %dma_wait3A_31 = arith.constant 0 : i32
      %dma_wait3A_32 = tpu.memref_slice %arg5[%dma_wait3A_30, %dma_wait3A_31] : memref<608x128xf32, #tpu.memory_space<hbm>> -> memref<608x128xf32, #tpu.memory_space<hbm>>
      tpu.wait_dma2 semaphore(%run_scoped3A : memref<!tpu.dma_semaphore, #tpu.memory_space<semaphore_mem>>) src(%dma_wait3A_32 : memref<608x128xf32, #tpu.memory_space<hbm>>) dst(%dma_wait3A_29 : memref<608x128xf32, #tpu.memory_space<vmem_shared>>)
      tpu.yield
    }) : () -> ()
    %barrier3A = arith.constant 0 : index
    tpu.barrier barrier_id(%barrier3A)
    %dma_start3A = arith.constant 0 : i32
    %dma_start3A_1 = arith.constant 0 : i32
    %dma_start3A_2 = tpu.memref_slice %arg7[%dma_start3A, %dma_start3A_1] : memref<80x128xi32, #tpu.memory_space<vmem>> -> memref<1x128xi32, #tpu.memory_space<vmem>>
    %dma_start3A_3 = tpu.memref_squeeze %dma_start3A_2 : memref<1x128xi32, #tpu.memory_space<vmem>> -> memref<128xi32, #tpu.memory_space<vmem>>
    %dma_start3A_4 = arith.constant 0 : i32
    %dma_start3A_5 = arith.constant 0 : i32
    %dma_start3A_6 = tpu.memref_slice %arg2[%dma_start3A_4, %dma_start3A_5] : memref<20000x128xf32, #tpu.memory_space<hbm>> -> memref<20000x128xf32, #tpu.memory_space<hbm>>
    tpu.enqueue_indirect_dma source(%dma_start3A_6 : memref<20000x128xf32, #tpu.memory_space<hbm>>) target(%arg9 : memref<128x128xf32, #tpu.memory_space<vmem>>) offsets(%dma_start3A_3 : memref<128xi32, #tpu.memory_space<vmem>>) semaphore(%arg12 : memref<!tpu.dma_semaphore, #tpu.memory_space<semaphore_mem>>)
    %dma_start3A_7 = arith.constant 1 : i32
    %dma_start3A_8 = arith.constant 0 : i32
    %dma_start3A_9 = tpu.memref_slice %arg7[%dma_start3A_7, %dma_start3A_8] : memref<80x128xi32, #tpu.memory_space<vmem>> -> memref<1x128xi32, #tpu.memory_space<vmem>>
    %dma_start3A_10 = tpu.memref_squeeze %dma_start3A_9 : memref<1x128xi32, #tpu.memory_space<vmem>> -> memref<128xi32, #tpu.memory_space<vmem>>
    %dma_start3A_11 = arith.constant 0 : i32
    %dma_start3A_12 = arith.constant 0 : i32
    %dma_start3A_13 = tpu.memref_slice %arg2[%dma_start3A_11, %dma_start3A_12] : memref<20000x128xf32, #tpu.memory_space<hbm>> -> memref<20000x128xf32, #tpu.memory_space<hbm>>
    tpu.enqueue_indirect_dma source(%dma_start3A_13 : memref<20000x128xf32, #tpu.memory_space<hbm>>) target(%arg10 : memref<128x128xf32, #tpu.memory_space<vmem>>) offsets(%dma_start3A_10 : memref<128xi32, #tpu.memory_space<vmem>>) semaphore(%arg13 : memref<!tpu.dma_semaphore, #tpu.memory_space<semaphore_mem>>)
    %scan3A = arith.constant 0 : i32
    %scan3A_14 = arith.constant 0 : i32
    %scan3A_15 = arith.constant 40 : i32
    %scan3A_16 = arith.addi %scan3A_14, %scan3A_15 : i32
    %scan3A_17 = arith.constant 1 : i32
    scf.for %scan3A_24 = %scan3A_14 to %scan3A_16 step %scan3A_17  : i32 {
      %mul3A_25 = arith.constant 2 : i32
      %mul3A_26 = arith.muli %scan3A_24, %mul3A_25 : i32
      %dma_wait3A = arith.constant 0 : i32
      %dma_wait3A_27 = tpu.memref_slice %arg7[%mul3A_26, %dma_wait3A] : memref<80x128xi32, #tpu.memory_space<vmem>> -> memref<1x128xi32, #tpu.memory_space<vmem>>
      %dma_wait3A_28 = tpu.memref_squeeze %dma_wait3A_27 : memref<1x128xi32, #tpu.memory_space<vmem>> -> memref<128xi32, #tpu.memory_space<vmem>>
      %dma_wait3A_29 = arith.constant 0 : i32
      %dma_wait3A_30 = arith.constant 0 : i32
      %dma_wait3A_31 = tpu.memref_slice %arg2[%dma_wait3A_29, %dma_wait3A_30] : memref<20000x128xf32, #tpu.memory_space<hbm>> -> memref<20000x128xf32, #tpu.memory_space<hbm>>
      tpu.wait_indirect_dma semaphore(%arg12 : memref<!tpu.dma_semaphore, #tpu.memory_space<semaphore_mem>>) src(%dma_wait3A_31 : memref<20000x128xf32, #tpu.memory_space<hbm>>) dst(%arg9 : memref<128x128xf32, #tpu.memory_space<vmem>>)
      "tpu.region"() ({
        %run_scoped3A = tpu.sem_alloc : memref<!tpu.dma_semaphore, #tpu.memory_space<semaphore_mem>>
        %dma_start3A_48 = arith.constant 0 : i32
        %dma_start3A_49 = tpu.memref_slice %arg8[%mul3A_26, %dma_start3A_48] : memref<80x128xi32, #tpu.memory_space<vmem>> -> memref<1x128xi32, #tpu.memory_space<vmem>>
        %dma_start3A_50 = tpu.memref_squeeze %dma_start3A_49 : memref<1x128xi32, #tpu.memory_space<vmem>> -> memref<128xi32, #tpu.memory_space<vmem>>
        %dma_start3A_51 = arith.constant 0 : i32
        %dma_start3A_52 = arith.constant 0 : i32
        %dma_start3A_53 = tpu.memref_slice %arg11[%dma_start3A_51, %dma_start3A_52] : memref<9728x128xf32, #tpu.memory_space<vmem_shared>> -> memref<9728x128xf32, #tpu.memory_space<vmem_shared>>
        tpu.enqueue_indirect_dma source(%arg9 : memref<128x128xf32, #tpu.memory_space<vmem>>) target(%dma_start3A_53 : memref<9728x128xf32, #tpu.memory_space<vmem_shared>>) offsets(%dma_start3A_50 : memref<128xi32, #tpu.memory_space<vmem>>) semaphore(%run_scoped3A : memref<!tpu.dma_semaphore, #tpu.memory_space<semaphore_mem>>) {add = true}
        %dma_wait3A_54 = arith.constant 0 : i32
        %dma_wait3A_55 = tpu.memref_slice %arg8[%mul3A_26, %dma_wait3A_54] : memref<80x128xi32, #tpu.memory_space<vmem>> -> memref<1x128xi32, #tpu.memory_space<vmem>>
        %dma_wait3A_56 = tpu.memref_squeeze %dma_wait3A_55 : memref<1x128xi32, #tpu.memory_space<vmem>> -> memref<128xi32, #tpu.memory_space<vmem>>
        %dma_wait3A_57 = arith.constant 0 : i32
        %dma_wait3A_58 = arith.constant 0 : i32
        %dma_wait3A_59 = tpu.memref_slice %arg11[%dma_wait3A_57, %dma_wait3A_58] : memref<9728x128xf32, #tpu.memory_space<vmem_shared>> -> memref<9728x128xf32, #tpu.memory_space<vmem_shared>>
        tpu.wait_indirect_dma semaphore(%run_scoped3A : memref<!tpu.dma_semaphore, #tpu.memory_space<semaphore_mem>>) src(%arg9 : memref<128x128xf32, #tpu.memory_space<vmem>>) dst(%dma_wait3A_59 : memref<9728x128xf32, #tpu.memory_space<vmem_shared>>)
        tpu.yield
      }) : () -> ()
      %lt3A = arith.constant 39 : i32
      %lt3A_32 = arith.cmpi slt, %scan3A_24, %lt3A : i32
      %convert_element_type3A = arith.extui %lt3A_32 : i1 to i32
      %cond3A = arith.constant 0 : i32
      %cond3A_33 = arith.cmpi ne, %convert_element_type3A, %cond3A : i32
      scf.if %cond3A_33 {
        %add3A_48 = arith.constant 2 : i32
        %add3A_49 = arith.addi %mul3A_26, %add3A_48 : i32
        %dma_start3A_50 = arith.constant 0 : i32
        %dma_start3A_51 = tpu.memref_slice %arg7[%add3A_49, %dma_start3A_50] : memref<80x128xi32, #tpu.memory_space<vmem>> -> memref<1x128xi32, #tpu.memory_space<vmem>>
        %dma_start3A_52 = tpu.memref_squeeze %dma_start3A_51 : memref<1x128xi32, #tpu.memory_space<vmem>> -> memref<128xi32, #tpu.memory_space<vmem>>
        %dma_start3A_53 = arith.constant 0 : i32
        %dma_start3A_54 = arith.constant 0 : i32
        %dma_start3A_55 = tpu.memref_slice %arg2[%dma_start3A_53, %dma_start3A_54] : memref<20000x128xf32, #tpu.memory_space<hbm>> -> memref<20000x128xf32, #tpu.memory_space<hbm>>
        tpu.enqueue_indirect_dma source(%dma_start3A_55 : memref<20000x128xf32, #tpu.memory_space<hbm>>) target(%arg9 : memref<128x128xf32, #tpu.memory_space<vmem>>) offsets(%dma_start3A_52 : memref<128xi32, #tpu.memory_space<vmem>>) semaphore(%arg12 : memref<!tpu.dma_semaphore, #tpu.memory_space<semaphore_mem>>)
      } else {
      }
      %add3A = arith.constant 1 : i32
      %add3A_34 = arith.addi %mul3A_26, %add3A : i32
      %dma_wait3A_35 = arith.constant 0 : i32
      %dma_wait3A_36 = tpu.memref_slice %arg7[%add3A_34, %dma_wait3A_35] : memref<80x128xi32, #tpu.memory_space<vmem>> -> memref<1x128xi32, #tpu.memory_space<vmem>>
      %dma_wait3A_37 = tpu.memref_squeeze %dma_wait3A_36 : memref<1x128xi32, #tpu.memory_space<vmem>> -> memref<128xi32, #tpu.memory_space<vmem>>
      %dma_wait3A_38 = arith.constant 0 : i32
      %dma_wait3A_39 = arith.constant 0 : i32
      %dma_wait3A_40 = tpu.memref_slice %arg2[%dma_wait3A_38, %dma_wait3A_39] : memref<20000x128xf32, #tpu.memory_space<hbm>> -> memref<20000x128xf32, #tpu.memory_space<hbm>>
      tpu.wait_indirect_dma semaphore(%arg13 : memref<!tpu.dma_semaphore, #tpu.memory_space<semaphore_mem>>) src(%dma_wait3A_40 : memref<20000x128xf32, #tpu.memory_space<hbm>>) dst(%arg10 : memref<128x128xf32, #tpu.memory_space<vmem>>)
      %add3A_41 = arith.constant 1 : i32
      %add3A_42 = arith.addi %mul3A_26, %add3A_41 : i32
      "tpu.region"() ({
        %run_scoped3A = tpu.sem_alloc : memref<!tpu.dma_semaphore, #tpu.memory_space<semaphore_mem>>
        %dma_start3A_48 = arith.constant 0 : i32
        %dma_start3A_49 = tpu.memref_slice %arg8[%add3A_42, %dma_start3A_48] : memref<80x128xi32, #tpu.memory_space<vmem>> -> memref<1x128xi32, #tpu.memory_space<vmem>>
        %dma_start3A_50 = tpu.memref_squeeze %dma_start3A_49 : memref<1x128xi32, #tpu.memory_space<vmem>> -> memref<128xi32, #tpu.memory_space<vmem>>
        %dma_start3A_51 = arith.constant 0 : i32
        %dma_start3A_52 = arith.constant 0 : i32
        %dma_start3A_53 = tpu.memref_slice %arg11[%dma_start3A_51, %dma_start3A_52] : memref<9728x128xf32, #tpu.memory_space<vmem_shared>> -> memref<9728x128xf32, #tpu.memory_space<vmem_shared>>
        tpu.enqueue_indirect_dma source(%arg10 : memref<128x128xf32, #tpu.memory_space<vmem>>) target(%dma_start3A_53 : memref<9728x128xf32, #tpu.memory_space<vmem_shared>>) offsets(%dma_start3A_50 : memref<128xi32, #tpu.memory_space<vmem>>) semaphore(%run_scoped3A : memref<!tpu.dma_semaphore, #tpu.memory_space<semaphore_mem>>) {add = true}
        %dma_wait3A_54 = arith.constant 0 : i32
        %dma_wait3A_55 = tpu.memref_slice %arg8[%add3A_42, %dma_wait3A_54] : memref<80x128xi32, #tpu.memory_space<vmem>> -> memref<1x128xi32, #tpu.memory_space<vmem>>
        %dma_wait3A_56 = tpu.memref_squeeze %dma_wait3A_55 : memref<1x128xi32, #tpu.memory_space<vmem>> -> memref<128xi32, #tpu.memory_space<vmem>>
        %dma_wait3A_57 = arith.constant 0 : i32
        %dma_wait3A_58 = arith.constant 0 : i32
        %dma_wait3A_59 = tpu.memref_slice %arg11[%dma_wait3A_57, %dma_wait3A_58] : memref<9728x128xf32, #tpu.memory_space<vmem_shared>> -> memref<9728x128xf32, #tpu.memory_space<vmem_shared>>
        tpu.wait_indirect_dma semaphore(%run_scoped3A : memref<!tpu.dma_semaphore, #tpu.memory_space<semaphore_mem>>) src(%arg10 : memref<128x128xf32, #tpu.memory_space<vmem>>) dst(%dma_wait3A_59 : memref<9728x128xf32, #tpu.memory_space<vmem_shared>>)
        tpu.yield
      }) : () -> ()
      %lt3A_43 = arith.constant 39 : i32
      %lt3A_44 = arith.cmpi slt, %scan3A_24, %lt3A_43 : i32
      %convert_element_type3A_45 = arith.extui %lt3A_44 : i1 to i32
      %cond3A_46 = arith.constant 0 : i32
      %cond3A_47 = arith.cmpi ne, %convert_element_type3A_45, %cond3A_46 : i32
      scf.if %cond3A_47 {
        %add3A_48 = arith.constant 3 : i32
        %add3A_49 = arith.addi %mul3A_26, %add3A_48 : i32
        %dma_start3A_50 = arith.constant 0 : i32
        %dma_start3A_51 = tpu.memref_slice %arg7[%add3A_49, %dma_start3A_50] : memref<80x128xi32, #tpu.memory_space<vmem>> -> memref<1x128xi32, #tpu.memory_space<vmem>>
        %dma_start3A_52 = tpu.memref_squeeze %dma_start3A_51 : memref<1x128xi32, #tpu.memory_space<vmem>> -> memref<128xi32, #tpu.memory_space<vmem>>
        %dma_start3A_53 = arith.constant 0 : i32
        %dma_start3A_54 = arith.constant 0 : i32
        %dma_start3A_55 = tpu.memref_slice %arg2[%dma_start3A_53, %dma_start3A_54] : memref<20000x128xf32, #tpu.memory_space<hbm>> -> memref<20000x128xf32, #tpu.memory_space<hbm>>
        tpu.enqueue_indirect_dma source(%dma_start3A_55 : memref<20000x128xf32, #tpu.memory_space<hbm>>) target(%arg10 : memref<128x128xf32, #tpu.memory_space<vmem>>) offsets(%dma_start3A_52 : memref<128xi32, #tpu.memory_space<vmem>>) semaphore(%arg13 : memref<!tpu.dma_semaphore, #tpu.memory_space<semaphore_mem>>)
      } else {
      }
    }
    %scan3A_18 = arith.constant 40 : i32
    %barrier3A_19 = arith.constant 0 : index
    tpu.barrier barrier_id(%barrier3A_19)
    %mul3A_20 = arith.constant 608 : i32
    %mul3A_21 = arith.muli %arg1, %mul3A_20 : i32
    %mul3A_22 = arith.constant 608 : i32
    %mul3A_23 = arith.muli %arg1, %mul3A_22 : i32
    "tpu.region"() ({
      %run_scoped3A = tpu.sem_alloc : memref<!tpu.dma_semaphore, #tpu.memory_space<semaphore_mem>>
      %dma_start3A_24 = arith.constant 0 : i32
      %dma_start3A_25 = tpu.memref_slice %arg6[%arg0, %mul3A_23, %dma_start3A_24] : memref<2x10240x128xf32, #tpu.memory_space<hbm>> -> memref<1x608x128xf32, #tpu.memory_space<hbm>>
      %dma_start3A_26 = tpu.memref_squeeze %dma_start3A_25 : memref<1x608x128xf32, #tpu.memory_space<hbm>> -> memref<608x128xf32, #tpu.memory_space<hbm>>
      %dma_start3A_27 = arith.constant 0 : i32
      %dma_start3A_28 = tpu.memref_slice %arg11[%mul3A_21, %dma_start3A_27] : memref<9728x128xf32, #tpu.memory_space<vmem_shared>> -> memref<608x128xf32, #tpu.memory_space<vmem_shared>>
      tpu.enqueue_dma source(%dma_start3A_28 : memref<608x128xf32, #tpu.memory_space<vmem_shared>>) target(%dma_start3A_26 : memref<608x128xf32, #tpu.memory_space<hbm>>) target_semaphore(%run_scoped3A : memref<!tpu.dma_semaphore, #tpu.memory_space<semaphore_mem>>)
      %dma_wait3A = arith.constant 0 : i32
      %dma_wait3A_29 = tpu.memref_slice %arg6[%arg0, %mul3A_23, %dma_wait3A] : memref<2x10240x128xf32, #tpu.memory_space<hbm>> -> memref<1x608x128xf32, #tpu.memory_space<hbm>>
      %dma_wait3A_30 = tpu.memref_squeeze %dma_wait3A_29 : memref<1x608x128xf32, #tpu.memory_space<hbm>> -> memref<608x128xf32, #tpu.memory_space<hbm>>
      %dma_wait3A_31 = arith.constant 0 : i32
      %dma_wait3A_32 = tpu.memref_slice %arg11[%mul3A_21, %dma_wait3A_31] : memref<9728x128xf32, #tpu.memory_space<vmem_shared>> -> memref<608x128xf32, #tpu.memory_space<vmem_shared>>
      tpu.wait_dma2 semaphore(%run_scoped3A : memref<!tpu.dma_semaphore, #tpu.memory_space<semaphore_mem>>) src(%dma_wait3A_32 : memref<608x128xf32, #tpu.memory_space<vmem_shared>>) dst(%dma_wait3A_30 : memref<608x128xf32, #tpu.memory_space<hbm>>)
      tpu.yield
    }) : () -> ()
    return
  }
}

#map = affine_map<(d0, d1) -> (0, 0)>
#map1 = affine_map<(d0, d1) -> (0, 0, 0, 0)>
#map2 = affine_map<(d0, d1) -> (0, 0, 0)>
module attributes {stable_mosaic.version = 14 : i64} {
  func.func @body(%arg0: i32, %arg1: i32, %arg2: memref<20000x128xf32, #tpu.memory_space<hbm>>, %arg3: memref<2x16x80x128xi32, #tpu.memory_space<hbm>>, %arg4: memref<16x80x128xi32, #tpu.memory_space<hbm>>, %arg5: memref<608x128xf32, #tpu.memory_space<hbm>>, %arg6: memref<2x1024x128xf32, #tpu.memory_space<hbm>>, %arg7: memref<80x128xi32, #tpu.memory_space<vmem>>, %arg8: memref<80x128xi32, #tpu.memory_space<vmem>>, %arg9: memref<128x128xf32, #tpu.memory_space<vmem>>, %arg10: memref<128x128xf32, #tpu.memory_space<vmem>>, %arg11: memref<1024x128xf32, #tpu.memory_space<vmem_shared>>, %arg12: memref<!tpu.dma_semaphore, #tpu.memory_space<semaphore_mem>>, %arg13: memref<!tpu.dma_semaphore, #tpu.memory_space<semaphore_mem>>) attributes {dimension_semantics = [#tpu.dimension_semantics<core_parallel>, #tpu.dimension_semantics<subcore_parallel>], iteration_bounds = array<i64: 2, 16>, scalar_prefetch = 0 : i64, scratch_operands = 7 : i64, tpu.core_type = #tpu.core_type<sc_vector_subcore>, window_params = [{transform_indices = #map}, {transform_indices = #map1}, {transform_indices = #map2}, {transform_indices = #map}, {transform_indices = #map2}]} {
    "tpu.region"() ({
      %run_scoped3A = tpu.sem_alloc : memref<!tpu.dma_semaphore, #tpu.memory_space<semaphore_mem>>
      %dma_start3A_24 = arith.constant 0 : i32
      %dma_start3A_25 = arith.constant 0 : i32
      %dma_start3A_26 = tpu.memref_slice %arg3[%arg0, %arg1, %dma_start3A_24, %dma_start3A_25] : memref<2x16x80x128xi32, #tpu.memory_space<hbm>> -> memref<1x1x80x128xi32, #tpu.memory_space<hbm>>
      %dma_start3A_27 = tpu.memref_squeeze %dma_start3A_26 : memref<1x1x80x128xi32, #tpu.memory_space<hbm>> -> memref<80x128xi32, #tpu.memory_space<hbm>>
      %dma_start3A_28 = arith.constant 0 : i32
      %dma_start3A_29 = arith.constant 0 : i32
      %dma_start3A_30 = tpu.memref_slice %arg3[%arg0, %arg1, %dma_start3A_28, %dma_start3A_29] : memref<2x16x80x128xi32, #tpu.memory_space<hbm>> -> memref<1x1x80x128xi32, #tpu.memory_space<hbm>>
      %dma_start3A_31 = tpu.memref_squeeze %dma_start3A_30 : memref<1x1x80x128xi32, #tpu.memory_space<hbm>> -> memref<80x128xi32, #tpu.memory_space<hbm>>
      tpu.enqueue_dma source(%dma_start3A_31 : memref<80x128xi32, #tpu.memory_space<hbm>>) target(%arg7 : memref<80x128xi32, #tpu.memory_space<vmem>>) target_semaphore(%run_scoped3A : memref<!tpu.dma_semaphore, #tpu.memory_space<semaphore_mem>>)
      %dma_wait3A = arith.constant 0 : i32
      %dma_wait3A_32 = arith.constant 0 : i32
      %dma_wait3A_33 = tpu.memref_slice %arg3[%arg0, %arg1, %dma_wait3A, %dma_wait3A_32] : memref<2x16x80x128xi32, #tpu.memory_space<hbm>> -> memref<1x1x80x128xi32, #tpu.memory_space<hbm>>
      %dma_wait3A_34 = tpu.memref_squeeze %dma_wait3A_33 : memref<1x1x80x128xi32, #tpu.memory_space<hbm>> -> memref<80x128xi32, #tpu.memory_space<hbm>>
      %dma_wait3A_35 = arith.constant 0 : i32
      %dma_wait3A_36 = arith.constant 0 : i32
      %dma_wait3A_37 = tpu.memref_slice %arg3[%arg0, %arg1, %dma_wait3A_35, %dma_wait3A_36] : memref<2x16x80x128xi32, #tpu.memory_space<hbm>> -> memref<1x1x80x128xi32, #tpu.memory_space<hbm>>
      %dma_wait3A_38 = tpu.memref_squeeze %dma_wait3A_37 : memref<1x1x80x128xi32, #tpu.memory_space<hbm>> -> memref<80x128xi32, #tpu.memory_space<hbm>>
      tpu.wait_dma2 semaphore(%run_scoped3A : memref<!tpu.dma_semaphore, #tpu.memory_space<semaphore_mem>>) src(%dma_wait3A_38 : memref<80x128xi32, #tpu.memory_space<hbm>>) dst(%arg7 : memref<80x128xi32, #tpu.memory_space<vmem>>)
      tpu.yield
    }) : () -> ()
    "tpu.region"() ({
      %run_scoped3A = tpu.sem_alloc : memref<!tpu.dma_semaphore, #tpu.memory_space<semaphore_mem>>
      %dma_start3A_24 = arith.constant 0 : i32
      %dma_start3A_25 = arith.constant 0 : i32
      %dma_start3A_26 = tpu.memref_slice %arg4[%arg1, %dma_start3A_24, %dma_start3A_25] : memref<16x80x128xi32, #tpu.memory_space<hbm>> -> memref<1x80x128xi32, #tpu.memory_space<hbm>>
      %dma_start3A_27 = tpu.memref_squeeze %dma_start3A_26 : memref<1x80x128xi32, #tpu.memory_space<hbm>> -> memref<80x128xi32, #tpu.memory_space<hbm>>
      %dma_start3A_28 = arith.constant 0 : i32
      %dma_start3A_29 = arith.constant 0 : i32
      %dma_start3A_30 = tpu.memref_slice %arg4[%arg1, %dma_start3A_28, %dma_start3A_29] : memref<16x80x128xi32, #tpu.memory_space<hbm>> -> memref<1x80x128xi32, #tpu.memory_space<hbm>>
      %dma_start3A_31 = tpu.memref_squeeze %dma_start3A_30 : memref<1x80x128xi32, #tpu.memory_space<hbm>> -> memref<80x128xi32, #tpu.memory_space<hbm>>
      tpu.enqueue_dma source(%dma_start3A_31 : memref<80x128xi32, #tpu.memory_space<hbm>>) target(%arg8 : memref<80x128xi32, #tpu.memory_space<vmem>>) target_semaphore(%run_scoped3A : memref<!tpu.dma_semaphore, #tpu.memory_space<semaphore_mem>>)
      %dma_wait3A = arith.constant 0 : i32
      %dma_wait3A_32 = arith.constant 0 : i32
      %dma_wait3A_33 = tpu.memref_slice %arg4[%arg1, %dma_wait3A, %dma_wait3A_32] : memref<16x80x128xi32, #tpu.memory_space<hbm>> -> memref<1x80x128xi32, #tpu.memory_space<hbm>>
      %dma_wait3A_34 = tpu.memref_squeeze %dma_wait3A_33 : memref<1x80x128xi32, #tpu.memory_space<hbm>> -> memref<80x128xi32, #tpu.memory_space<hbm>>
      %dma_wait3A_35 = arith.constant 0 : i32
      %dma_wait3A_36 = arith.constant 0 : i32
      %dma_wait3A_37 = tpu.memref_slice %arg4[%arg1, %dma_wait3A_35, %dma_wait3A_36] : memref<16x80x128xi32, #tpu.memory_space<hbm>> -> memref<1x80x128xi32, #tpu.memory_space<hbm>>
      %dma_wait3A_38 = tpu.memref_squeeze %dma_wait3A_37 : memref<1x80x128xi32, #tpu.memory_space<hbm>> -> memref<80x128xi32, #tpu.memory_space<hbm>>
      tpu.wait_dma2 semaphore(%run_scoped3A : memref<!tpu.dma_semaphore, #tpu.memory_space<semaphore_mem>>) src(%dma_wait3A_38 : memref<80x128xi32, #tpu.memory_space<hbm>>) dst(%arg8 : memref<80x128xi32, #tpu.memory_space<vmem>>)
      tpu.yield
    }) : () -> ()
    %mul3A = arith.constant 64 : i32
    %mul3A_0 = arith.muli %arg1, %mul3A : i32
    "tpu.region"() ({
      %run_scoped3A = tpu.sem_alloc : memref<!tpu.dma_semaphore, #tpu.memory_space<semaphore_mem>>
      %dma_start3A_24 = arith.constant 0 : i32
      %dma_start3A_25 = tpu.memref_slice %arg11[%mul3A_0, %dma_start3A_24] : memref<1024x128xf32, #tpu.memory_space<vmem_shared>> -> memref<64x128xf32, #tpu.memory_space<vmem_shared>>
      %dma_start3A_26 = arith.constant 0 : i32
      %dma_start3A_27 = arith.constant 0 : i32
      %dma_start3A_28 = tpu.memref_slice %arg5[%dma_start3A_26, %dma_start3A_27] : memref<608x128xf32, #tpu.memory_space<hbm>> -> memref<64x128xf32, #tpu.memory_space<hbm>>
      tpu.enqueue_dma source(%dma_start3A_28 : memref<64x128xf32, #tpu.memory_space<hbm>>) target(%dma_start3A_25 : memref<64x128xf32, #tpu.memory_space<vmem_shared>>) target_semaphore(%run_scoped3A : memref<!tpu.dma_semaphore, #tpu.memory_space<semaphore_mem>>)
      %dma_wait3A = arith.constant 0 : i32
      %dma_wait3A_29 = tpu.memref_slice %arg11[%mul3A_0, %dma_wait3A] : memref<1024x128xf32, #tpu.memory_space<vmem_shared>> -> memref<64x128xf32, #tpu.memory_space<vmem_shared>>
      %dma_wait3A_30 = arith.constant 0 : i32
      %dma_wait3A_31 = arith.constant 0 : i32
      %dma_wait3A_32 = tpu.memref_slice %arg5[%dma_wait3A_30, %dma_wait3A_31] : memref<608x128xf32, #tpu.memory_space<hbm>> -> memref<64x128xf32, #tpu.memory_space<hbm>>
      tpu.wait_dma2 semaphore(%run_scoped3A : memref<!tpu.dma_semaphore, #tpu.memory_space<semaphore_mem>>) src(%dma_wait3A_32 : memref<64x128xf32, #tpu.memory_space<hbm>>) dst(%dma_wait3A_29 : memref<64x128xf32, #tpu.memory_space<vmem_shared>>)
      tpu.yield
    }) : () -> ()
    %barrier3A = arith.constant 0 : index
    tpu.barrier barrier_id(%barrier3A)
    %dma_start3A = arith.constant 0 : i32
    %dma_start3A_1 = arith.constant 0 : i32
    %dma_start3A_2 = tpu.memref_slice %arg7[%dma_start3A, %dma_start3A_1] : memref<80x128xi32, #tpu.memory_space<vmem>> -> memref<1x128xi32, #tpu.memory_space<vmem>>
    %dma_start3A_3 = tpu.memref_squeeze %dma_start3A_2 : memref<1x128xi32, #tpu.memory_space<vmem>> -> memref<128xi32, #tpu.memory_space<vmem>>
    %dma_start3A_4 = arith.constant 0 : i32
    %dma_start3A_5 = arith.constant 0 : i32
    %dma_start3A_6 = tpu.memref_slice %arg2[%dma_start3A_4, %dma_start3A_5] : memref<20000x128xf32, #tpu.memory_space<hbm>> -> memref<20000x128xf32, #tpu.memory_space<hbm>>
    tpu.enqueue_indirect_dma source(%dma_start3A_6 : memref<20000x128xf32, #tpu.memory_space<hbm>>) target(%arg9 : memref<128x128xf32, #tpu.memory_space<vmem>>) offsets(%dma_start3A_3 : memref<128xi32, #tpu.memory_space<vmem>>) semaphore(%arg12 : memref<!tpu.dma_semaphore, #tpu.memory_space<semaphore_mem>>)
    %dma_start3A_7 = arith.constant 1 : i32
    %dma_start3A_8 = arith.constant 0 : i32
    %dma_start3A_9 = tpu.memref_slice %arg7[%dma_start3A_7, %dma_start3A_8] : memref<80x128xi32, #tpu.memory_space<vmem>> -> memref<1x128xi32, #tpu.memory_space<vmem>>
    %dma_start3A_10 = tpu.memref_squeeze %dma_start3A_9 : memref<1x128xi32, #tpu.memory_space<vmem>> -> memref<128xi32, #tpu.memory_space<vmem>>
    %dma_start3A_11 = arith.constant 0 : i32
    %dma_start3A_12 = arith.constant 0 : i32
    %dma_start3A_13 = tpu.memref_slice %arg2[%dma_start3A_11, %dma_start3A_12] : memref<20000x128xf32, #tpu.memory_space<hbm>> -> memref<20000x128xf32, #tpu.memory_space<hbm>>
    tpu.enqueue_indirect_dma source(%dma_start3A_13 : memref<20000x128xf32, #tpu.memory_space<hbm>>) target(%arg10 : memref<128x128xf32, #tpu.memory_space<vmem>>) offsets(%dma_start3A_10 : memref<128xi32, #tpu.memory_space<vmem>>) semaphore(%arg13 : memref<!tpu.dma_semaphore, #tpu.memory_space<semaphore_mem>>)
    %scan3A = arith.constant 0 : i32
    %scan3A_14 = arith.constant 0 : i32
    %scan3A_15 = arith.constant 40 : i32
    %scan3A_16 = arith.addi %scan3A_14, %scan3A_15 : i32
    %scan3A_17 = arith.constant 1 : i32
    scf.for %scan3A_24 = %scan3A_14 to %scan3A_16 step %scan3A_17  : i32 {
      %mul3A_25 = arith.constant 2 : i32
      %mul3A_26 = arith.muli %scan3A_24, %mul3A_25 : i32
      %dma_wait3A = arith.constant 0 : i32
      %dma_wait3A_27 = tpu.memref_slice %arg7[%mul3A_26, %dma_wait3A] : memref<80x128xi32, #tpu.memory_space<vmem>> -> memref<1x128xi32, #tpu.memory_space<vmem>>
      %dma_wait3A_28 = tpu.memref_squeeze %dma_wait3A_27 : memref<1x128xi32, #tpu.memory_space<vmem>> -> memref<128xi32, #tpu.memory_space<vmem>>
      %dma_wait3A_29 = arith.constant 0 : i32
      %dma_wait3A_30 = arith.constant 0 : i32
      %dma_wait3A_31 = tpu.memref_slice %arg2[%dma_wait3A_29, %dma_wait3A_30] : memref<20000x128xf32, #tpu.memory_space<hbm>> -> memref<20000x128xf32, #tpu.memory_space<hbm>>
      tpu.wait_indirect_dma semaphore(%arg12 : memref<!tpu.dma_semaphore, #tpu.memory_space<semaphore_mem>>) src(%dma_wait3A_31 : memref<20000x128xf32, #tpu.memory_space<hbm>>) dst(%arg9 : memref<128x128xf32, #tpu.memory_space<vmem>>)
      "tpu.region"() ({
        %run_scoped3A = tpu.sem_alloc : memref<!tpu.dma_semaphore, #tpu.memory_space<semaphore_mem>>
        %dma_start3A_48 = arith.constant 0 : i32
        %dma_start3A_49 = tpu.memref_slice %arg8[%mul3A_26, %dma_start3A_48] : memref<80x128xi32, #tpu.memory_space<vmem>> -> memref<1x128xi32, #tpu.memory_space<vmem>>
        %dma_start3A_50 = tpu.memref_squeeze %dma_start3A_49 : memref<1x128xi32, #tpu.memory_space<vmem>> -> memref<128xi32, #tpu.memory_space<vmem>>
        %dma_start3A_51 = arith.constant 0 : i32
        %dma_start3A_52 = arith.constant 0 : i32
        %dma_start3A_53 = tpu.memref_slice %arg11[%dma_start3A_51, %dma_start3A_52] : memref<1024x128xf32, #tpu.memory_space<vmem_shared>> -> memref<1024x128xf32, #tpu.memory_space<vmem_shared>>
        tpu.enqueue_indirect_dma source(%arg9 : memref<128x128xf32, #tpu.memory_space<vmem>>) target(%dma_start3A_53 : memref<1024x128xf32, #tpu.memory_space<vmem_shared>>) offsets(%dma_start3A_50 : memref<128xi32, #tpu.memory_space<vmem>>) semaphore(%run_scoped3A : memref<!tpu.dma_semaphore, #tpu.memory_space<semaphore_mem>>) {add = true}
        %dma_wait3A_54 = arith.constant 0 : i32
        %dma_wait3A_55 = tpu.memref_slice %arg8[%mul3A_26, %dma_wait3A_54] : memref<80x128xi32, #tpu.memory_space<vmem>> -> memref<1x128xi32, #tpu.memory_space<vmem>>
        %dma_wait3A_56 = tpu.memref_squeeze %dma_wait3A_55 : memref<1x128xi32, #tpu.memory_space<vmem>> -> memref<128xi32, #tpu.memory_space<vmem>>
        %dma_wait3A_57 = arith.constant 0 : i32
        %dma_wait3A_58 = arith.constant 0 : i32
        %dma_wait3A_59 = tpu.memref_slice %arg11[%dma_wait3A_57, %dma_wait3A_58] : memref<1024x128xf32, #tpu.memory_space<vmem_shared>> -> memref<1024x128xf32, #tpu.memory_space<vmem_shared>>
        tpu.wait_indirect_dma semaphore(%run_scoped3A : memref<!tpu.dma_semaphore, #tpu.memory_space<semaphore_mem>>) src(%arg9 : memref<128x128xf32, #tpu.memory_space<vmem>>) dst(%dma_wait3A_59 : memref<1024x128xf32, #tpu.memory_space<vmem_shared>>)
        tpu.yield
      }) : () -> ()
      %lt3A = arith.constant 39 : i32
      %lt3A_32 = arith.cmpi slt, %scan3A_24, %lt3A : i32
      %convert_element_type3A = arith.extui %lt3A_32 : i1 to i32
      %cond3A = arith.constant 0 : i32
      %cond3A_33 = arith.cmpi ne, %convert_element_type3A, %cond3A : i32
      scf.if %cond3A_33 {
        %add3A_48 = arith.constant 2 : i32
        %add3A_49 = arith.addi %mul3A_26, %add3A_48 : i32
        %dma_start3A_50 = arith.constant 0 : i32
        %dma_start3A_51 = tpu.memref_slice %arg7[%add3A_49, %dma_start3A_50] : memref<80x128xi32, #tpu.memory_space<vmem>> -> memref<1x128xi32, #tpu.memory_space<vmem>>
        %dma_start3A_52 = tpu.memref_squeeze %dma_start3A_51 : memref<1x128xi32, #tpu.memory_space<vmem>> -> memref<128xi32, #tpu.memory_space<vmem>>
        %dma_start3A_53 = arith.constant 0 : i32
        %dma_start3A_54 = arith.constant 0 : i32
        %dma_start3A_55 = tpu.memref_slice %arg2[%dma_start3A_53, %dma_start3A_54] : memref<20000x128xf32, #tpu.memory_space<hbm>> -> memref<20000x128xf32, #tpu.memory_space<hbm>>
        tpu.enqueue_indirect_dma source(%dma_start3A_55 : memref<20000x128xf32, #tpu.memory_space<hbm>>) target(%arg9 : memref<128x128xf32, #tpu.memory_space<vmem>>) offsets(%dma_start3A_52 : memref<128xi32, #tpu.memory_space<vmem>>) semaphore(%arg12 : memref<!tpu.dma_semaphore, #tpu.memory_space<semaphore_mem>>)
      } else {
      }
      %add3A = arith.constant 1 : i32
      %add3A_34 = arith.addi %mul3A_26, %add3A : i32
      %dma_wait3A_35 = arith.constant 0 : i32
      %dma_wait3A_36 = tpu.memref_slice %arg7[%add3A_34, %dma_wait3A_35] : memref<80x128xi32, #tpu.memory_space<vmem>> -> memref<1x128xi32, #tpu.memory_space<vmem>>
      %dma_wait3A_37 = tpu.memref_squeeze %dma_wait3A_36 : memref<1x128xi32, #tpu.memory_space<vmem>> -> memref<128xi32, #tpu.memory_space<vmem>>
      %dma_wait3A_38 = arith.constant 0 : i32
      %dma_wait3A_39 = arith.constant 0 : i32
      %dma_wait3A_40 = tpu.memref_slice %arg2[%dma_wait3A_38, %dma_wait3A_39] : memref<20000x128xf32, #tpu.memory_space<hbm>> -> memref<20000x128xf32, #tpu.memory_space<hbm>>
      tpu.wait_indirect_dma semaphore(%arg13 : memref<!tpu.dma_semaphore, #tpu.memory_space<semaphore_mem>>) src(%dma_wait3A_40 : memref<20000x128xf32, #tpu.memory_space<hbm>>) dst(%arg10 : memref<128x128xf32, #tpu.memory_space<vmem>>)
      %add3A_41 = arith.constant 1 : i32
      %add3A_42 = arith.addi %mul3A_26, %add3A_41 : i32
      "tpu.region"() ({
        %run_scoped3A = tpu.sem_alloc : memref<!tpu.dma_semaphore, #tpu.memory_space<semaphore_mem>>
        %dma_start3A_48 = arith.constant 0 : i32
        %dma_start3A_49 = tpu.memref_slice %arg8[%add3A_42, %dma_start3A_48] : memref<80x128xi32, #tpu.memory_space<vmem>> -> memref<1x128xi32, #tpu.memory_space<vmem>>
        %dma_start3A_50 = tpu.memref_squeeze %dma_start3A_49 : memref<1x128xi32, #tpu.memory_space<vmem>> -> memref<128xi32, #tpu.memory_space<vmem>>
        %dma_start3A_51 = arith.constant 0 : i32
        %dma_start3A_52 = arith.constant 0 : i32
        %dma_start3A_53 = tpu.memref_slice %arg11[%dma_start3A_51, %dma_start3A_52] : memref<1024x128xf32, #tpu.memory_space<vmem_shared>> -> memref<1024x128xf32, #tpu.memory_space<vmem_shared>>
        tpu.enqueue_indirect_dma source(%arg10 : memref<128x128xf32, #tpu.memory_space<vmem>>) target(%dma_start3A_53 : memref<1024x128xf32, #tpu.memory_space<vmem_shared>>) offsets(%dma_start3A_50 : memref<128xi32, #tpu.memory_space<vmem>>) semaphore(%run_scoped3A : memref<!tpu.dma_semaphore, #tpu.memory_space<semaphore_mem>>) {add = true}
        %dma_wait3A_54 = arith.constant 0 : i32
        %dma_wait3A_55 = tpu.memref_slice %arg8[%add3A_42, %dma_wait3A_54] : memref<80x128xi32, #tpu.memory_space<vmem>> -> memref<1x128xi32, #tpu.memory_space<vmem>>
        %dma_wait3A_56 = tpu.memref_squeeze %dma_wait3A_55 : memref<1x128xi32, #tpu.memory_space<vmem>> -> memref<128xi32, #tpu.memory_space<vmem>>
        %dma_wait3A_57 = arith.constant 0 : i32
        %dma_wait3A_58 = arith.constant 0 : i32
        %dma_wait3A_59 = tpu.memref_slice %arg11[%dma_wait3A_57, %dma_wait3A_58] : memref<1024x128xf32, #tpu.memory_space<vmem_shared>> -> memref<1024x128xf32, #tpu.memory_space<vmem_shared>>
        tpu.wait_indirect_dma semaphore(%run_scoped3A : memref<!tpu.dma_semaphore, #tpu.memory_space<semaphore_mem>>) src(%arg10 : memref<128x128xf32, #tpu.memory_space<vmem>>) dst(%dma_wait3A_59 : memref<1024x128xf32, #tpu.memory_space<vmem_shared>>)
        tpu.yield
      }) : () -> ()
      %lt3A_43 = arith.constant 39 : i32
      %lt3A_44 = arith.cmpi slt, %scan3A_24, %lt3A_43 : i32
      %convert_element_type3A_45 = arith.extui %lt3A_44 : i1 to i32
      %cond3A_46 = arith.constant 0 : i32
      %cond3A_47 = arith.cmpi ne, %convert_element_type3A_45, %cond3A_46 : i32
      scf.if %cond3A_47 {
        %add3A_48 = arith.constant 3 : i32
        %add3A_49 = arith.addi %mul3A_26, %add3A_48 : i32
        %dma_start3A_50 = arith.constant 0 : i32
        %dma_start3A_51 = tpu.memref_slice %arg7[%add3A_49, %dma_start3A_50] : memref<80x128xi32, #tpu.memory_space<vmem>> -> memref<1x128xi32, #tpu.memory_space<vmem>>
        %dma_start3A_52 = tpu.memref_squeeze %dma_start3A_51 : memref<1x128xi32, #tpu.memory_space<vmem>> -> memref<128xi32, #tpu.memory_space<vmem>>
        %dma_start3A_53 = arith.constant 0 : i32
        %dma_start3A_54 = arith.constant 0 : i32
        %dma_start3A_55 = tpu.memref_slice %arg2[%dma_start3A_53, %dma_start3A_54] : memref<20000x128xf32, #tpu.memory_space<hbm>> -> memref<20000x128xf32, #tpu.memory_space<hbm>>
        tpu.enqueue_indirect_dma source(%dma_start3A_55 : memref<20000x128xf32, #tpu.memory_space<hbm>>) target(%arg10 : memref<128x128xf32, #tpu.memory_space<vmem>>) offsets(%dma_start3A_52 : memref<128xi32, #tpu.memory_space<vmem>>) semaphore(%arg13 : memref<!tpu.dma_semaphore, #tpu.memory_space<semaphore_mem>>)
      } else {
      }
    }
    %scan3A_18 = arith.constant 40 : i32
    %barrier3A_19 = arith.constant 0 : index
    tpu.barrier barrier_id(%barrier3A_19)
    %mul3A_20 = arith.constant 64 : i32
    %mul3A_21 = arith.muli %arg1, %mul3A_20 : i32
    %mul3A_22 = arith.constant 64 : i32
    %mul3A_23 = arith.muli %arg1, %mul3A_22 : i32
    "tpu.region"() ({
      %run_scoped3A = tpu.sem_alloc : memref<!tpu.dma_semaphore, #tpu.memory_space<semaphore_mem>>
      %dma_start3A_24 = arith.constant 0 : i32
      %dma_start3A_25 = tpu.memref_slice %arg6[%arg0, %mul3A_23, %dma_start3A_24] : memref<2x1024x128xf32, #tpu.memory_space<hbm>> -> memref<1x64x128xf32, #tpu.memory_space<hbm>>
      %dma_start3A_26 = tpu.memref_squeeze %dma_start3A_25 : memref<1x64x128xf32, #tpu.memory_space<hbm>> -> memref<64x128xf32, #tpu.memory_space<hbm>>
      %dma_start3A_27 = arith.constant 0 : i32
      %dma_start3A_28 = tpu.memref_slice %arg11[%mul3A_21, %dma_start3A_27] : memref<1024x128xf32, #tpu.memory_space<vmem_shared>> -> memref<64x128xf32, #tpu.memory_space<vmem_shared>>
      tpu.enqueue_dma source(%dma_start3A_28 : memref<64x128xf32, #tpu.memory_space<vmem_shared>>) target(%dma_start3A_26 : memref<64x128xf32, #tpu.memory_space<hbm>>) target_semaphore(%run_scoped3A : memref<!tpu.dma_semaphore, #tpu.memory_space<semaphore_mem>>)
      %dma_wait3A = arith.constant 0 : i32
      %dma_wait3A_29 = tpu.memref_slice %arg6[%arg0, %mul3A_23, %dma_wait3A] : memref<2x1024x128xf32, #tpu.memory_space<hbm>> -> memref<1x64x128xf32, #tpu.memory_space<hbm>>
      %dma_wait3A_30 = tpu.memref_squeeze %dma_wait3A_29 : memref<1x64x128xf32, #tpu.memory_space<hbm>> -> memref<64x128xf32, #tpu.memory_space<hbm>>
      %dma_wait3A_31 = arith.constant 0 : i32
      %dma_wait3A_32 = tpu.memref_slice %arg11[%mul3A_21, %dma_wait3A_31] : memref<1024x128xf32, #tpu.memory_space<vmem_shared>> -> memref<64x128xf32, #tpu.memory_space<vmem_shared>>
      tpu.wait_dma2 semaphore(%run_scoped3A : memref<!tpu.dma_semaphore, #tpu.memory_space<semaphore_mem>>) src(%dma_wait3A_32 : memref<64x128xf32, #tpu.memory_space<vmem_shared>>) dst(%dma_wait3A_30 : memref<64x128xf32, #tpu.memory_space<hbm>>)
      tpu.yield
    }) : () -> ()
    return
  }
}

#map = affine_map<(d0, d1) -> (0, 0)>
#map1 = affine_map<(d0, d1) -> (0, 0, 0, 0)>
#map2 = affine_map<(d0, d1) -> (0, 0, 0)>
module attributes {stable_mosaic.version = 14 : i64} {
  func.func @body(%arg0: i32, %arg1: i32, %arg2: memref<20000x128xf32, #tpu.memory_space<hbm>>, %arg3: memref<2x16x80x128xi32, #tpu.memory_space<hbm>>, %arg4: memref<16x80x128xi32, #tpu.memory_space<hbm>>, %arg5: memref<608x128xf32, #tpu.memory_space<hbm>>, %arg6: memref<2x10240x128xf32, #tpu.memory_space<hbm>>, %arg7: memref<80x128xi32, #tpu.memory_space<vmem>>, %arg8: memref<80x128xi32, #tpu.memory_space<vmem>>, %arg9: memref<128x128xf32, #tpu.memory_space<vmem>>, %arg10: memref<128x128xf32, #tpu.memory_space<vmem>>, %arg11: memref<9728x128xf32, #tpu.memory_space<vmem_shared>>, %arg12: memref<!tpu.dma_semaphore, #tpu.memory_space<semaphore_mem>>, %arg13: memref<!tpu.dma_semaphore, #tpu.memory_space<semaphore_mem>>) attributes {dimension_semantics = [#tpu.dimension_semantics<core_parallel>, #tpu.dimension_semantics<subcore_parallel>], iteration_bounds = array<i64: 2, 16>, scalar_prefetch = 0 : i64, scratch_operands = 7 : i64, tpu.core_type = #tpu.core_type<sc_vector_subcore>, window_params = [{transform_indices = #map}, {transform_indices = #map1}, {transform_indices = #map2}, {transform_indices = #map}, {transform_indices = #map2}]} {
    "tpu.region"() ({
      %run_scoped3A = tpu.sem_alloc : memref<!tpu.dma_semaphore, #tpu.memory_space<semaphore_mem>>
      %dma_start3A_24 = arith.constant 0 : i32
      %dma_start3A_25 = arith.constant 0 : i32
      %dma_start3A_26 = tpu.memref_slice %arg3[%arg0, %arg1, %dma_start3A_24, %dma_start3A_25] : memref<2x16x80x128xi32, #tpu.memory_space<hbm>> -> memref<1x1x80x128xi32, #tpu.memory_space<hbm>>
      %dma_start3A_27 = tpu.memref_squeeze %dma_start3A_26 : memref<1x1x80x128xi32, #tpu.memory_space<hbm>> -> memref<80x128xi32, #tpu.memory_space<hbm>>
      %dma_start3A_28 = arith.constant 0 : i32
      %dma_start3A_29 = arith.constant 0 : i32
      %dma_start3A_30 = tpu.memref_slice %arg3[%arg0, %arg1, %dma_start3A_28, %dma_start3A_29] : memref<2x16x80x128xi32, #tpu.memory_space<hbm>> -> memref<1x1x80x128xi32, #tpu.memory_space<hbm>>
      %dma_start3A_31 = tpu.memref_squeeze %dma_start3A_30 : memref<1x1x80x128xi32, #tpu.memory_space<hbm>> -> memref<80x128xi32, #tpu.memory_space<hbm>>
      tpu.enqueue_dma source(%dma_start3A_31 : memref<80x128xi32, #tpu.memory_space<hbm>>) target(%arg7 : memref<80x128xi32, #tpu.memory_space<vmem>>) target_semaphore(%run_scoped3A : memref<!tpu.dma_semaphore, #tpu.memory_space<semaphore_mem>>)
      %dma_wait3A = arith.constant 0 : i32
      %dma_wait3A_32 = arith.constant 0 : i32
      %dma_wait3A_33 = tpu.memref_slice %arg3[%arg0, %arg1, %dma_wait3A, %dma_wait3A_32] : memref<2x16x80x128xi32, #tpu.memory_space<hbm>> -> memref<1x1x80x128xi32, #tpu.memory_space<hbm>>
      %dma_wait3A_34 = tpu.memref_squeeze %dma_wait3A_33 : memref<1x1x80x128xi32, #tpu.memory_space<hbm>> -> memref<80x128xi32, #tpu.memory_space<hbm>>
      %dma_wait3A_35 = arith.constant 0 : i32
      %dma_wait3A_36 = arith.constant 0 : i32
      %dma_wait3A_37 = tpu.memref_slice %arg3[%arg0, %arg1, %dma_wait3A_35, %dma_wait3A_36] : memref<2x16x80x128xi32, #tpu.memory_space<hbm>> -> memref<1x1x80x128xi32, #tpu.memory_space<hbm>>
      %dma_wait3A_38 = tpu.memref_squeeze %dma_wait3A_37 : memref<1x1x80x128xi32, #tpu.memory_space<hbm>> -> memref<80x128xi32, #tpu.memory_space<hbm>>
      tpu.wait_dma2 semaphore(%run_scoped3A : memref<!tpu.dma_semaphore, #tpu.memory_space<semaphore_mem>>) src(%dma_wait3A_38 : memref<80x128xi32, #tpu.memory_space<hbm>>) dst(%arg7 : memref<80x128xi32, #tpu.memory_space<vmem>>)
      tpu.yield
    }) : () -> ()
    "tpu.region"() ({
      %run_scoped3A = tpu.sem_alloc : memref<!tpu.dma_semaphore, #tpu.memory_space<semaphore_mem>>
      %dma_start3A_24 = arith.constant 0 : i32
      %dma_start3A_25 = arith.constant 0 : i32
      %dma_start3A_26 = tpu.memref_slice %arg4[%arg1, %dma_start3A_24, %dma_start3A_25] : memref<16x80x128xi32, #tpu.memory_space<hbm>> -> memref<1x80x128xi32, #tpu.memory_space<hbm>>
      %dma_start3A_27 = tpu.memref_squeeze %dma_start3A_26 : memref<1x80x128xi32, #tpu.memory_space<hbm>> -> memref<80x128xi32, #tpu.memory_space<hbm>>
      %dma_start3A_28 = arith.constant 0 : i32
      %dma_start3A_29 = arith.constant 0 : i32
      %dma_start3A_30 = tpu.memref_slice %arg4[%arg1, %dma_start3A_28, %dma_start3A_29] : memref<16x80x128xi32, #tpu.memory_space<hbm>> -> memref<1x80x128xi32, #tpu.memory_space<hbm>>
      %dma_start3A_31 = tpu.memref_squeeze %dma_start3A_30 : memref<1x80x128xi32, #tpu.memory_space<hbm>> -> memref<80x128xi32, #tpu.memory_space<hbm>>
      tpu.enqueue_dma source(%dma_start3A_31 : memref<80x128xi32, #tpu.memory_space<hbm>>) target(%arg8 : memref<80x128xi32, #tpu.memory_space<vmem>>) target_semaphore(%run_scoped3A : memref<!tpu.dma_semaphore, #tpu.memory_space<semaphore_mem>>)
      %dma_wait3A = arith.constant 0 : i32
      %dma_wait3A_32 = arith.constant 0 : i32
      %dma_wait3A_33 = tpu.memref_slice %arg4[%arg1, %dma_wait3A, %dma_wait3A_32] : memref<16x80x128xi32, #tpu.memory_space<hbm>> -> memref<1x80x128xi32, #tpu.memory_space<hbm>>
      %dma_wait3A_34 = tpu.memref_squeeze %dma_wait3A_33 : memref<1x80x128xi32, #tpu.memory_space<hbm>> -> memref<80x128xi32, #tpu.memory_space<hbm>>
      %dma_wait3A_35 = arith.constant 0 : i32
      %dma_wait3A_36 = arith.constant 0 : i32
      %dma_wait3A_37 = tpu.memref_slice %arg4[%arg1, %dma_wait3A_35, %dma_wait3A_36] : memref<16x80x128xi32, #tpu.memory_space<hbm>> -> memref<1x80x128xi32, #tpu.memory_space<hbm>>
      %dma_wait3A_38 = tpu.memref_squeeze %dma_wait3A_37 : memref<1x80x128xi32, #tpu.memory_space<hbm>> -> memref<80x128xi32, #tpu.memory_space<hbm>>
      tpu.wait_dma2 semaphore(%run_scoped3A : memref<!tpu.dma_semaphore, #tpu.memory_space<semaphore_mem>>) src(%dma_wait3A_38 : memref<80x128xi32, #tpu.memory_space<hbm>>) dst(%arg8 : memref<80x128xi32, #tpu.memory_space<vmem>>)
      tpu.yield
    }) : () -> ()
    %mul3A = arith.constant 608 : i32
    %mul3A_0 = arith.muli %arg1, %mul3A : i32
    "tpu.region"() ({
      %run_scoped3A = tpu.sem_alloc : memref<!tpu.dma_semaphore, #tpu.memory_space<semaphore_mem>>
      %dma_start3A_24 = arith.constant 0 : i32
      %dma_start3A_25 = tpu.memref_slice %arg11[%mul3A_0, %dma_start3A_24] : memref<9728x128xf32, #tpu.memory_space<vmem_shared>> -> memref<608x128xf32, #tpu.memory_space<vmem_shared>>
      %dma_start3A_26 = arith.constant 0 : i32
      %dma_start3A_27 = arith.constant 0 : i32
      %dma_start3A_28 = tpu.memref_slice %arg5[%dma_start3A_26, %dma_start3A_27] : memref<608x128xf32, #tpu.memory_space<hbm>> -> memref<608x128xf32, #tpu.memory_space<hbm>>
      tpu.enqueue_dma source(%dma_start3A_28 : memref<608x128xf32, #tpu.memory_space<hbm>>) target(%dma_start3A_25 : memref<608x128xf32, #tpu.memory_space<vmem_shared>>) target_semaphore(%run_scoped3A : memref<!tpu.dma_semaphore, #tpu.memory_space<semaphore_mem>>)
      %dma_wait3A = arith.constant 0 : i32
      %dma_wait3A_29 = tpu.memref_slice %arg11[%mul3A_0, %dma_wait3A] : memref<9728x128xf32, #tpu.memory_space<vmem_shared>> -> memref<608x128xf32, #tpu.memory_space<vmem_shared>>
      %dma_wait3A_30 = arith.constant 0 : i32
      %dma_wait3A_31 = arith.constant 0 : i32
      %dma_wait3A_32 = tpu.memref_slice %arg5[%dma_wait3A_30, %dma_wait3A_31] : memref<608x128xf32, #tpu.memory_space<hbm>> -> memref<608x128xf32, #tpu.memory_space<hbm>>
      tpu.wait_dma2 semaphore(%run_scoped3A : memref<!tpu.dma_semaphore, #tpu.memory_space<semaphore_mem>>) src(%dma_wait3A_32 : memref<608x128xf32, #tpu.memory_space<hbm>>) dst(%dma_wait3A_29 : memref<608x128xf32, #tpu.memory_space<vmem_shared>>)
      tpu.yield
    }) : () -> ()
    %barrier3A = arith.constant 0 : index
    tpu.barrier barrier_id(%barrier3A)
    %dma_start3A = arith.constant 0 : i32
    %dma_start3A_1 = arith.constant 0 : i32
    %dma_start3A_2 = tpu.memref_slice %arg7[%dma_start3A, %dma_start3A_1] : memref<80x128xi32, #tpu.memory_space<vmem>> -> memref<1x128xi32, #tpu.memory_space<vmem>>
    %dma_start3A_3 = tpu.memref_squeeze %dma_start3A_2 : memref<1x128xi32, #tpu.memory_space<vmem>> -> memref<128xi32, #tpu.memory_space<vmem>>
    %dma_start3A_4 = arith.constant 0 : i32
    %dma_start3A_5 = arith.constant 0 : i32
    %dma_start3A_6 = tpu.memref_slice %arg2[%dma_start3A_4, %dma_start3A_5] : memref<20000x128xf32, #tpu.memory_space<hbm>> -> memref<20000x128xf32, #tpu.memory_space<hbm>>
    tpu.enqueue_indirect_dma source(%dma_start3A_6 : memref<20000x128xf32, #tpu.memory_space<hbm>>) target(%arg9 : memref<128x128xf32, #tpu.memory_space<vmem>>) offsets(%dma_start3A_3 : memref<128xi32, #tpu.memory_space<vmem>>) semaphore(%arg12 : memref<!tpu.dma_semaphore, #tpu.memory_space<semaphore_mem>>)
    %dma_start3A_7 = arith.constant 1 : i32
    %dma_start3A_8 = arith.constant 0 : i32
    %dma_start3A_9 = tpu.memref_slice %arg7[%dma_start3A_7, %dma_start3A_8] : memref<80x128xi32, #tpu.memory_space<vmem>> -> memref<1x128xi32, #tpu.memory_space<vmem>>
    %dma_start3A_10 = tpu.memref_squeeze %dma_start3A_9 : memref<1x128xi32, #tpu.memory_space<vmem>> -> memref<128xi32, #tpu.memory_space<vmem>>
    %dma_start3A_11 = arith.constant 0 : i32
    %dma_start3A_12 = arith.constant 0 : i32
    %dma_start3A_13 = tpu.memref_slice %arg2[%dma_start3A_11, %dma_start3A_12] : memref<20000x128xf32, #tpu.memory_space<hbm>> -> memref<20000x128xf32, #tpu.memory_space<hbm>>
    tpu.enqueue_indirect_dma source(%dma_start3A_13 : memref<20000x128xf32, #tpu.memory_space<hbm>>) target(%arg10 : memref<128x128xf32, #tpu.memory_space<vmem>>) offsets(%dma_start3A_10 : memref<128xi32, #tpu.memory_space<vmem>>) semaphore(%arg13 : memref<!tpu.dma_semaphore, #tpu.memory_space<semaphore_mem>>)
    %scan3A = arith.constant 0 : i32
    %scan3A_14 = arith.constant 0 : i32
    %scan3A_15 = arith.constant 40 : i32
    %scan3A_16 = arith.addi %scan3A_14, %scan3A_15 : i32
    %scan3A_17 = arith.constant 1 : i32
    scf.for %scan3A_24 = %scan3A_14 to %scan3A_16 step %scan3A_17  : i32 {
      %mul3A_25 = arith.constant 2 : i32
      %mul3A_26 = arith.muli %scan3A_24, %mul3A_25 : i32
      %dma_wait3A = arith.constant 0 : i32
      %dma_wait3A_27 = tpu.memref_slice %arg7[%mul3A_26, %dma_wait3A] : memref<80x128xi32, #tpu.memory_space<vmem>> -> memref<1x128xi32, #tpu.memory_space<vmem>>
      %dma_wait3A_28 = tpu.memref_squeeze %dma_wait3A_27 : memref<1x128xi32, #tpu.memory_space<vmem>> -> memref<128xi32, #tpu.memory_space<vmem>>
      %dma_wait3A_29 = arith.constant 0 : i32
      %dma_wait3A_30 = arith.constant 0 : i32
      %dma_wait3A_31 = tpu.memref_slice %arg2[%dma_wait3A_29, %dma_wait3A_30] : memref<20000x128xf32, #tpu.memory_space<hbm>> -> memref<20000x128xf32, #tpu.memory_space<hbm>>
      tpu.wait_indirect_dma semaphore(%arg12 : memref<!tpu.dma_semaphore, #tpu.memory_space<semaphore_mem>>) src(%dma_wait3A_31 : memref<20000x128xf32, #tpu.memory_space<hbm>>) dst(%arg9 : memref<128x128xf32, #tpu.memory_space<vmem>>)
      "tpu.region"() ({
        %run_scoped3A = tpu.sem_alloc : memref<!tpu.dma_semaphore, #tpu.memory_space<semaphore_mem>>
        %dma_start3A_48 = arith.constant 0 : i32
        %dma_start3A_49 = tpu.memref_slice %arg8[%mul3A_26, %dma_start3A_48] : memref<80x128xi32, #tpu.memory_space<vmem>> -> memref<1x128xi32, #tpu.memory_space<vmem>>
        %dma_start3A_50 = tpu.memref_squeeze %dma_start3A_49 : memref<1x128xi32, #tpu.memory_space<vmem>> -> memref<128xi32, #tpu.memory_space<vmem>>
        %dma_start3A_51 = arith.constant 0 : i32
        %dma_start3A_52 = arith.constant 0 : i32
        %dma_start3A_53 = tpu.memref_slice %arg11[%dma_start3A_51, %dma_start3A_52] : memref<9728x128xf32, #tpu.memory_space<vmem_shared>> -> memref<9728x128xf32, #tpu.memory_space<vmem_shared>>
        tpu.enqueue_indirect_dma source(%arg9 : memref<128x128xf32, #tpu.memory_space<vmem>>) target(%dma_start3A_53 : memref<9728x128xf32, #tpu.memory_space<vmem_shared>>) offsets(%dma_start3A_50 : memref<128xi32, #tpu.memory_space<vmem>>) semaphore(%run_scoped3A : memref<!tpu.dma_semaphore, #tpu.memory_space<semaphore_mem>>) {add = true}
        %dma_wait3A_54 = arith.constant 0 : i32
        %dma_wait3A_55 = tpu.memref_slice %arg8[%mul3A_26, %dma_wait3A_54] : memref<80x128xi32, #tpu.memory_space<vmem>> -> memref<1x128xi32, #tpu.memory_space<vmem>>
        %dma_wait3A_56 = tpu.memref_squeeze %dma_wait3A_55 : memref<1x128xi32, #tpu.memory_space<vmem>> -> memref<128xi32, #tpu.memory_space<vmem>>
        %dma_wait3A_57 = arith.constant 0 : i32
        %dma_wait3A_58 = arith.constant 0 : i32
        %dma_wait3A_59 = tpu.memref_slice %arg11[%dma_wait3A_57, %dma_wait3A_58] : memref<9728x128xf32, #tpu.memory_space<vmem_shared>> -> memref<9728x128xf32, #tpu.memory_space<vmem_shared>>
        tpu.wait_indirect_dma semaphore(%run_scoped3A : memref<!tpu.dma_semaphore, #tpu.memory_space<semaphore_mem>>) src(%arg9 : memref<128x128xf32, #tpu.memory_space<vmem>>) dst(%dma_wait3A_59 : memref<9728x128xf32, #tpu.memory_space<vmem_shared>>)
        tpu.yield
      }) : () -> ()
      %lt3A = arith.constant 39 : i32
      %lt3A_32 = arith.cmpi slt, %scan3A_24, %lt3A : i32
      %convert_element_type3A = arith.extui %lt3A_32 : i1 to i32
      %cond3A = arith.constant 0 : i32
      %cond3A_33 = arith.cmpi ne, %convert_element_type3A, %cond3A : i32
      scf.if %cond3A_33 {
        %add3A_48 = arith.constant 2 : i32
        %add3A_49 = arith.addi %mul3A_26, %add3A_48 : i32
        %dma_start3A_50 = arith.constant 0 : i32
        %dma_start3A_51 = tpu.memref_slice %arg7[%add3A_49, %dma_start3A_50] : memref<80x128xi32, #tpu.memory_space<vmem>> -> memref<1x128xi32, #tpu.memory_space<vmem>>
        %dma_start3A_52 = tpu.memref_squeeze %dma_start3A_51 : memref<1x128xi32, #tpu.memory_space<vmem>> -> memref<128xi32, #tpu.memory_space<vmem>>
        %dma_start3A_53 = arith.constant 0 : i32
        %dma_start3A_54 = arith.constant 0 : i32
        %dma_start3A_55 = tpu.memref_slice %arg2[%dma_start3A_53, %dma_start3A_54] : memref<20000x128xf32, #tpu.memory_space<hbm>> -> memref<20000x128xf32, #tpu.memory_space<hbm>>
        tpu.enqueue_indirect_dma source(%dma_start3A_55 : memref<20000x128xf32, #tpu.memory_space<hbm>>) target(%arg9 : memref<128x128xf32, #tpu.memory_space<vmem>>) offsets(%dma_start3A_52 : memref<128xi32, #tpu.memory_space<vmem>>) semaphore(%arg12 : memref<!tpu.dma_semaphore, #tpu.memory_space<semaphore_mem>>)
      } else {
      }
      %add3A = arith.constant 1 : i32
      %add3A_34 = arith.addi %mul3A_26, %add3A : i32
      %dma_wait3A_35 = arith.constant 0 : i32
      %dma_wait3A_36 = tpu.memref_slice %arg7[%add3A_34, %dma_wait3A_35] : memref<80x128xi32, #tpu.memory_space<vmem>> -> memref<1x128xi32, #tpu.memory_space<vmem>>
      %dma_wait3A_37 = tpu.memref_squeeze %dma_wait3A_36 : memref<1x128xi32, #tpu.memory_space<vmem>> -> memref<128xi32, #tpu.memory_space<vmem>>
      %dma_wait3A_38 = arith.constant 0 : i32
      %dma_wait3A_39 = arith.constant 0 : i32
      %dma_wait3A_40 = tpu.memref_slice %arg2[%dma_wait3A_38, %dma_wait3A_39] : memref<20000x128xf32, #tpu.memory_space<hbm>> -> memref<20000x128xf32, #tpu.memory_space<hbm>>
      tpu.wait_indirect_dma semaphore(%arg13 : memref<!tpu.dma_semaphore, #tpu.memory_space<semaphore_mem>>) src(%dma_wait3A_40 : memref<20000x128xf32, #tpu.memory_space<hbm>>) dst(%arg10 : memref<128x128xf32, #tpu.memory_space<vmem>>)
      %add3A_41 = arith.constant 1 : i32
      %add3A_42 = arith.addi %mul3A_26, %add3A_41 : i32
      "tpu.region"() ({
        %run_scoped3A = tpu.sem_alloc : memref<!tpu.dma_semaphore, #tpu.memory_space<semaphore_mem>>
        %dma_start3A_48 = arith.constant 0 : i32
        %dma_start3A_49 = tpu.memref_slice %arg8[%add3A_42, %dma_start3A_48] : memref<80x128xi32, #tpu.memory_space<vmem>> -> memref<1x128xi32, #tpu.memory_space<vmem>>
        %dma_start3A_50 = tpu.memref_squeeze %dma_start3A_49 : memref<1x128xi32, #tpu.memory_space<vmem>> -> memref<128xi32, #tpu.memory_space<vmem>>
        %dma_start3A_51 = arith.constant 0 : i32
        %dma_start3A_52 = arith.constant 0 : i32
        %dma_start3A_53 = tpu.memref_slice %arg11[%dma_start3A_51, %dma_start3A_52] : memref<9728x128xf32, #tpu.memory_space<vmem_shared>> -> memref<9728x128xf32, #tpu.memory_space<vmem_shared>>
        tpu.enqueue_indirect_dma source(%arg10 : memref<128x128xf32, #tpu.memory_space<vmem>>) target(%dma_start3A_53 : memref<9728x128xf32, #tpu.memory_space<vmem_shared>>) offsets(%dma_start3A_50 : memref<128xi32, #tpu.memory_space<vmem>>) semaphore(%run_scoped3A : memref<!tpu.dma_semaphore, #tpu.memory_space<semaphore_mem>>) {add = true}
        %dma_wait3A_54 = arith.constant 0 : i32
        %dma_wait3A_55 = tpu.memref_slice %arg8[%add3A_42, %dma_wait3A_54] : memref<80x128xi32, #tpu.memory_space<vmem>> -> memref<1x128xi32, #tpu.memory_space<vmem>>
        %dma_wait3A_56 = tpu.memref_squeeze %dma_wait3A_55 : memref<1x128xi32, #tpu.memory_space<vmem>> -> memref<128xi32, #tpu.memory_space<vmem>>
        %dma_wait3A_57 = arith.constant 0 : i32
        %dma_wait3A_58 = arith.constant 0 : i32
        %dma_wait3A_59 = tpu.memref_slice %arg11[%dma_wait3A_57, %dma_wait3A_58] : memref<9728x128xf32, #tpu.memory_space<vmem_shared>> -> memref<9728x128xf32, #tpu.memory_space<vmem_shared>>
        tpu.wait_indirect_dma semaphore(%run_scoped3A : memref<!tpu.dma_semaphore, #tpu.memory_space<semaphore_mem>>) src(%arg10 : memref<128x128xf32, #tpu.memory_space<vmem>>) dst(%dma_wait3A_59 : memref<9728x128xf32, #tpu.memory_space<vmem_shared>>)
        tpu.yield
      }) : () -> ()
      %lt3A_43 = arith.constant 39 : i32
      %lt3A_44 = arith.cmpi slt, %scan3A_24, %lt3A_43 : i32
      %convert_element_type3A_45 = arith.extui %lt3A_44 : i1 to i32
      %cond3A_46 = arith.constant 0 : i32
      %cond3A_47 = arith.cmpi ne, %convert_element_type3A_45, %cond3A_46 : i32
      scf.if %cond3A_47 {
        %add3A_48 = arith.constant 3 : i32
        %add3A_49 = arith.addi %mul3A_26, %add3A_48 : i32
        %dma_start3A_50 = arith.constant 0 : i32
        %dma_start3A_51 = tpu.memref_slice %arg7[%add3A_49, %dma_start3A_50] : memref<80x128xi32, #tpu.memory_space<vmem>> -> memref<1x128xi32, #tpu.memory_space<vmem>>
        %dma_start3A_52 = tpu.memref_squeeze %dma_start3A_51 : memref<1x128xi32, #tpu.memory_space<vmem>> -> memref<128xi32, #tpu.memory_space<vmem>>
        %dma_start3A_53 = arith.constant 0 : i32
        %dma_start3A_54 = arith.constant 0 : i32
        %dma_start3A_55 = tpu.memref_slice %arg2[%dma_start3A_53, %dma_start3A_54] : memref<20000x128xf32, #tpu.memory_space<hbm>> -> memref<20000x128xf32, #tpu.memory_space<hbm>>
        tpu.enqueue_indirect_dma source(%dma_start3A_55 : memref<20000x128xf32, #tpu.memory_space<hbm>>) target(%arg10 : memref<128x128xf32, #tpu.memory_space<vmem>>) offsets(%dma_start3A_52 : memref<128xi32, #tpu.memory_space<vmem>>) semaphore(%arg13 : memref<!tpu.dma_semaphore, #tpu.memory_space<semaphore_mem>>)
      } else {
      }
    }
    %scan3A_18 = arith.constant 40 : i32
    %barrier3A_19 = arith.constant 0 : index
    tpu.barrier barrier_id(%barrier3A_19)
    %mul3A_20 = arith.constant 608 : i32
    %mul3A_21 = arith.muli %arg1, %mul3A_20 : i32
    %mul3A_22 = arith.constant 608 : i32
    %mul3A_23 = arith.muli %arg1, %mul3A_22 : i32
    "tpu.region"() ({
      %run_scoped3A = tpu.sem_alloc : memref<!tpu.dma_semaphore, #tpu.memory_space<semaphore_mem>>
      %dma_start3A_24 = arith.constant 0 : i32
      %dma_start3A_25 = tpu.memref_slice %arg6[%arg0, %mul3A_23, %dma_start3A_24] : memref<2x10240x128xf32, #tpu.memory_space<hbm>> -> memref<1x608x128xf32, #tpu.memory_space<hbm>>
      %dma_start3A_26 = tpu.memref_squeeze %dma_start3A_25 : memref<1x608x128xf32, #tpu.memory_space<hbm>> -> memref<608x128xf32, #tpu.memory_space<hbm>>
      %dma_start3A_27 = arith.constant 0 : i32
      %dma_start3A_28 = tpu.memref_slice %arg11[%mul3A_21, %dma_start3A_27] : memref<9728x128xf32, #tpu.memory_space<vmem_shared>> -> memref<608x128xf32, #tpu.memory_space<vmem_shared>>
      tpu.enqueue_dma source(%dma_start3A_28 : memref<608x128xf32, #tpu.memory_space<vmem_shared>>) target(%dma_start3A_26 : memref<608x128xf32, #tpu.memory_space<hbm>>) target_semaphore(%run_scoped3A : memref<!tpu.dma_semaphore, #tpu.memory_space<semaphore_mem>>)
      %dma_wait3A = arith.constant 0 : i32
      %dma_wait3A_29 = tpu.memref_slice %arg6[%arg0, %mul3A_23, %dma_wait3A] : memref<2x10240x128xf32, #tpu.memory_space<hbm>> -> memref<1x608x128xf32, #tpu.memory_space<hbm>>
      %dma_wait3A_30 = tpu.memref_squeeze %dma_wait3A_29 : memref<1x608x128xf32, #tpu.memory_space<hbm>> -> memref<608x128xf32, #tpu.memory_space<hbm>>
      %dma_wait3A_31 = arith.constant 0 : i32
      %dma_wait3A_32 = tpu.memref_slice %arg11[%mul3A_21, %dma_wait3A_31] : memref<9728x128xf32, #tpu.memory_space<vmem_shared>> -> memref<608x128xf32, #tpu.memory_space<vmem_shared>>
      tpu.wait_dma2 semaphore(%run_scoped3A : memref<!tpu.dma_semaphore, #tpu.memory_space<semaphore_mem>>) src(%dma_wait3A_32 : memref<608x128xf32, #tpu.memory_space<vmem_shared>>) dst(%dma_wait3A_30 : memref<608x128xf32, #tpu.memory_space<hbm>>)
      tpu.yield
    }) : () -> ()
    return
  }
}

module attributes {stable_mosaic.version = 14 : i64} {
  func.func @_tc_a_body(%arg0: i32, %arg1: memref<1000x256xf32, #tpu.memory_space<vmem>>, %arg2: memref<256x256xf32, #tpu.memory_space<vmem>>, %arg3: memref<768x256xf32, #tpu.memory_space<vmem>>, %arg4: memref<1x768xf32, #tpu.memory_space<vmem>>, %arg5: memref<2x1000x128xf32, #tpu.memory_space<vmem>>, %arg6: memref<1000x768xf32, #tpu.memory_space<vmem>>) attributes {dimension_semantics = [#tpu.dimension_semantics<arbitrary>], iteration_bounds = array<i64: 10>, scalar_prefetch = 0 : i64, scratch_operands = 0 : i64, tpu.core_type = #tpu.core_type<tc>, window_params = [{transform_indices = @transform_0, window_bounds = array<i64: 1000, 256>}, {pipeline_mode = #tpu.pipeline_mode<synchronous>, transform_indices = @transform_1, window_bounds = array<i64: 256, 256>}, {pipeline_mode = #tpu.pipeline_mode<synchronous>, transform_indices = @transform_2, window_bounds = array<i64: 768, 256>}, {pipeline_mode = #tpu.pipeline_mode<synchronous>, transform_indices = @transform_3, window_bounds = array<i64: 1, 768>}, {transform_indices = @transform_4, window_bounds = array<i64: 2, 1000, 128>}, {transform_indices = @transform_5, window_bounds = array<i64: 1000, 768>}]} {
    %get3A = arith.constant 0 : index
    %get3A_0 = arith.constant 0 : index
    %get3A_1 = vector.load %arg1[%get3A, %get3A_0] : memref<1000x256xf32, #tpu.memory_space<vmem>>, vector<1000x256xf32>
    %get3A_2 = arith.constant 0 : index
    %get3A_3 = arith.constant 0 : index
    %get3A_4 = vector.load %arg2[%get3A_2, %get3A_3] : memref<256x256xf32, #tpu.memory_space<vmem>>, vector<256x256xf32>
    %dot_general3A = arith.constant dense<0.000000e+00> : vector<1000x256xf32>
    %dot_general3A_5 = tpu.matmul %get3A_1, %get3A_4, %dot_general3A {dimension_numbers = #tpu.dot_dimension_numbers<[1], [0], [0], [1], [0, 0, 1, 1], [], []>, transpose_lhs_hint = false} : vector<1000x256xf32>, vector<256x256xf32>, vector<1000x256xf32> -> vector<1000x256xf32>
    %slice3A = vector.extract_strided_slice %dot_general3A_5 {offsets = [0, 0], sizes = [1000, 128], strides = [1, 1]} : vector<1000x256xf32> to vector<1000x128xf32>
    %swap3A = arith.constant 0 : index
    %swap3A_6 = arith.constant 0 : index
    %swap3A_7 = arith.constant 0 : index
    %swap3A_8 = vector.load %arg5[%swap3A, %swap3A_6, %swap3A_7] : memref<2x1000x128xf32, #tpu.memory_space<vmem>>, vector<1x1000x128xf32>
    %swap3A_9 = vector.shape_cast %swap3A_8 : vector<1x1000x128xf32> to vector<1000x128xf32>
    %swap3A_10 = vector.shape_cast %slice3A : vector<1000x128xf32> to vector<1x1000x128xf32>
    tpu.vector_store %arg5[%swap3A, %swap3A_6, %swap3A_7], %swap3A_10 {strides = array<i32>} : memref<2x1000x128xf32, #tpu.memory_space<vmem>>, vector<1x1000x128xf32>,
    %slice3A_11 = vector.extract_strided_slice %dot_general3A_5 {offsets = [0, 128], sizes = [1000, 128], strides = [1, 1]} : vector<1000x256xf32> to vector<1000x128xf32>
    %swap3A_12 = arith.constant 1 : index
    %swap3A_13 = arith.constant 0 : index
    %swap3A_14 = arith.constant 0 : index
    %swap3A_15 = vector.load %arg5[%swap3A_12, %swap3A_13, %swap3A_14] : memref<2x1000x128xf32, #tpu.memory_space<vmem>>, vector<1x1000x128xf32>
    %swap3A_16 = vector.shape_cast %swap3A_15 : vector<1x1000x128xf32> to vector<1000x128xf32>
    %swap3A_17 = vector.shape_cast %slice3A_11 : vector<1000x128xf32> to vector<1x1000x128xf32>
    tpu.vector_store %arg5[%swap3A_12, %swap3A_13, %swap3A_14], %swap3A_17 {strides = array<i32>} : memref<2x1000x128xf32, #tpu.memory_space<vmem>>, vector<1x1000x128xf32>,
    %get3A_18 = arith.constant 0 : index
    %get3A_19 = arith.constant 0 : index
    %get3A_20 = vector.load %arg3[%get3A_18, %get3A_19] : memref<768x256xf32, #tpu.memory_space<vmem>>, vector<768x256xf32>
    %dot_general3A_21 = arith.constant dense<0.000000e+00> : vector<1000x768xf32>
    %dot_general3A_22 = tpu.matmul %get3A_1, %get3A_20, %dot_general3A_21 {dimension_numbers = #tpu.dot_dimension_numbers<[1], [1], [0], [0], [0, 0, 1, 0], [], []>, transpose_lhs_hint = false} : vector<1000x256xf32>, vector<768x256xf32>, vector<1000x768xf32> -> vector<1000x768xf32>
    %get3A_23 = arith.constant 0 : index
    %get3A_24 = arith.constant 0 : index
    %get3A_25 = vector.load %arg4[%get3A_23, %get3A_24] : memref<1x768xf32, #tpu.memory_space<vmem>>, vector<1x768xf32>
    %add3A = vector.broadcast %get3A_25 : vector<1x768xf32> to vector<1000x768xf32>
    %add3A_26 = arith.addf %dot_general3A_22, %add3A : vector<1000x768xf32>
    %swap3A_27 = arith.constant 0 : index
    %swap3A_28 = arith.constant 0 : index
    %swap3A_29 = vector.load %arg6[%swap3A_27, %swap3A_28] : memref<1000x768xf32, #tpu.memory_space<vmem>>, vector<1000x768xf32>
    tpu.vector_store %arg6[%swap3A_27, %swap3A_28], %add3A_26 {strides = array<i32>} : memref<1000x768xf32, #tpu.memory_space<vmem>>, vector<1000x768xf32>,
    return
  }
  func.func @transform_0(%arg0: i32) -> (i32, i32) {
    %c0_i32 = arith.constant 0 : i32
    %c0_i32_0 = arith.constant 0 : i32
    return %arg0, %c0_i32 : i32, i32
  }
  func.func @transform_1(%arg0: i32) -> (i32, i32) {
    %c0_i32 = arith.constant 0 : i32
    %c0_i32_0 = arith.constant 0 : i32
    %c0_i32_1 = arith.constant 0 : i32
    return %c0_i32, %c0_i32_0 : i32, i32
  }
  func.func @transform_2(%arg0: i32) -> (i32, i32) {
    %c0_i32 = arith.constant 0 : i32
    %c0_i32_0 = arith.constant 0 : i32
    %c0_i32_1 = arith.constant 0 : i32
    return %c0_i32, %c0_i32_0 : i32, i32
  }
  func.func @transform_3(%arg0: i32) -> (i32, i32) {
    %c0_i32 = arith.constant 0 : i32
    %c0_i32_0 = arith.constant 0 : i32
    %c0_i32_1 = arith.constant 0 : i32
    return %c0_i32, %c0_i32_0 : i32, i32
  }
  func.func @transform_4(%arg0: i32) -> (i32, i32, i32) {
    %c0_i32 = arith.constant 0 : i32
    %c0_i32_0 = arith.constant 0 : i32
    %c0_i32_1 = arith.constant 0 : i32
    return %c0_i32, %arg0, %c0_i32_0 : i32, i32, i32
  }
  func.func @transform_5(%arg0: i32) -> (i32, i32) {
    %c0_i32 = arith.constant 0 : i32
    %c0_i32_0 = arith.constant 0 : i32
    return %arg0, %c0_i32 : i32, i32
  }
}

module attributes {stable_mosaic.version = 14 : i64} {
  func.func @_tc_b_body(%arg0: i32, %arg1: memref<2x1000x128xf32, #tpu.memory_space<vmem>>, %arg2: memref<2x1000x128xf32, #tpu.memory_space<vmem>>, %arg3: memref<1000x256xf32, #tpu.memory_space<vmem>>, %arg4: memref<1000x768xf32, #tpu.memory_space<vmem>>, %arg5: memref<768x256xf32, #tpu.memory_space<vmem>>, %arg6: memref<1x768xf32, #tpu.memory_space<vmem>>, %arg7: memref<1000x256xf32, #tpu.memory_space<vmem>>) attributes {dimension_semantics = [#tpu.dimension_semantics<arbitrary>], iteration_bounds = array<i64: 10>, scalar_prefetch = 0 : i64, scratch_operands = 0 : i64, tpu.core_type = #tpu.core_type<tc>, window_params = [{transform_indices = @transform_0, window_bounds = array<i64: 2, 1000, 128>}, {transform_indices = @transform_1, window_bounds = array<i64: 2, 1000, 128>}, {transform_indices = @transform_2, window_bounds = array<i64: 1000, 256>}, {transform_indices = @transform_3, window_bounds = array<i64: 1000, 768>}, {pipeline_mode = #tpu.pipeline_mode<synchronous>, transform_indices = @transform_4, window_bounds = array<i64: 768, 256>}, {pipeline_mode = #tpu.pipeline_mode<synchronous>, transform_indices = @transform_5, window_bounds = array<i64: 1, 768>}, {transform_indices = @transform_6, window_bounds = array<i64: 1000, 256>}]} {
    %iota3A = tpu.iota {dimensions = array<i32: 0>} : vector<1000x128xi32>
    %eq3A = arith.constant 9 : i32
    %eq3A_0 = arith.cmpi eq, %arg0, %eq3A : i32
    %ge3A = arith.constant 712 : i32
    %ge3A_1 = vector.broadcast %ge3A : i32 to vector<1000x128xi32>
    %ge3A_2 = arith.cmpi sge, %iota3A, %ge3A_1 : vector<1000x128xi32>
    %and3A = vector.broadcast %eq3A_0 : i1 to vector<1000x128xi1>
    %and3A_3 = arith.andi %and3A, %ge3A_2 : vector<1000x128xi1>
    %get3A = arith.constant 0 : index
    %get3A_4 = arith.constant 0 : index
    %get3A_5 = arith.constant 0 : index
    %get3A_6 = vector.load %arg2[%get3A, %get3A_4, %get3A_5] : memref<2x1000x128xf32, #tpu.memory_space<vmem>>, vector<1x1000x128xf32>
    %get3A_7 = vector.shape_cast %get3A_6 : vector<1x1000x128xf32> to vector<1000x128xf32>
    %get3A_8 = arith.constant 0 : index
    %get3A_9 = arith.constant 0 : index
    %get3A_10 = arith.constant 0 : index
    %get3A_11 = vector.load %arg1[%get3A_8, %get3A_9, %get3A_10] : memref<2x1000x128xf32, #tpu.memory_space<vmem>>, vector<1x1000x128xf32>
    %get3A_12 = vector.shape_cast %get3A_11 : vector<1x1000x128xf32> to vector<1000x128xf32>
    %select_n3A = arith.select %and3A_3, %get3A_7, %get3A_12 : vector<1000x128xi1>, vector<1000x128xf32>
    %get3A_13 = arith.constant 1 : index
    %get3A_14 = arith.constant 0 : index
    %get3A_15 = arith.constant 0 : index
    %get3A_16 = vector.load %arg2[%get3A_13, %get3A_14, %get3A_15] : memref<2x1000x128xf32, #tpu.memory_space<vmem>>, vector<1x1000x128xf32>
    %get3A_17 = vector.shape_cast %get3A_16 : vector<1x1000x128xf32> to vector<1000x128xf32>
    %get3A_18 = arith.constant 1 : index
    %get3A_19 = arith.constant 0 : index
    %get3A_20 = arith.constant 0 : index
    %get3A_21 = vector.load %arg1[%get3A_18, %get3A_19, %get3A_20] : memref<2x1000x128xf32, #tpu.memory_space<vmem>>, vector<1x1000x128xf32>
    %get3A_22 = vector.shape_cast %get3A_21 : vector<1x1000x128xf32> to vector<1000x128xf32>
    %select_n3A_23 = arith.select %and3A_3, %get3A_17, %get3A_22 : vector<1000x128xi1>, vector<1000x128xf32>
    %concatenate3A = tpu.concatenate %select_n3A, %select_n3A_23 in 1 : vector<1000x128xf32>, vector<1000x128xf32> -> vector<1000x256xf32>
    %get3A_24 = arith.constant 0 : index
    %get3A_25 = arith.constant 0 : index
    %get3A_26 = vector.load %arg5[%get3A_24, %get3A_25] : memref<768x256xf32, #tpu.memory_space<vmem>>, vector<768x256xf32>
    %dot_general3A = arith.constant dense<0.000000e+00> : vector<1000x768xf32>
    %dot_general3A_27 = tpu.matmul %concatenate3A, %get3A_26, %dot_general3A {dimension_numbers = #tpu.dot_dimension_numbers<[1], [1], [0], [0], [0, 0, 1, 0], [], []>, transpose_lhs_hint = false} : vector<1000x256xf32>, vector<768x256xf32>, vector<1000x768xf32> -> vector<1000x768xf32>
    %get3A_28 = arith.constant 0 : index
    %get3A_29 = arith.constant 0 : index
    %get3A_30 = vector.load %arg6[%get3A_28, %get3A_29] : memref<1x768xf32, #tpu.memory_space<vmem>>, vector<1x768xf32>
    %add3A = vector.broadcast %get3A_30 : vector<1x768xf32> to vector<1000x768xf32>
    %add3A_31 = arith.addf %dot_general3A_27, %add3A : vector<1000x768xf32>
    %get3A_32 = arith.constant 0 : index
    %get3A_33 = arith.constant 0 : index
    %get3A_34 = vector.load %arg4[%get3A_32, %get3A_33] : memref<1000x768xf32, #tpu.memory_space<vmem>>, vector<1000x768xf32>
    %get3A_35 = arith.constant 0 : index
    %get3A_36 = arith.constant 0 : index
    %get3A_37 = vector.load %arg3[%get3A_35, %get3A_36] : memref<1000x256xf32, #tpu.memory_space<vmem>>, vector<1000x256xf32>
    %slice3A = vector.extract_strided_slice %add3A_31 {offsets = [0, 0], sizes = [1000, 256], strides = [1, 1]} : vector<1000x768xf32> to vector<1000x256xf32>
    %slice3A_38 = vector.extract_strided_slice %add3A_31 {offsets = [0, 256], sizes = [1000, 256], strides = [1, 1]} : vector<1000x768xf32> to vector<1000x256xf32>
    %slice3A_39 = vector.extract_strided_slice %add3A_31 {offsets = [0, 512], sizes = [1000, 256], strides = [1, 1]} : vector<1000x768xf32> to vector<1000x256xf32>
    %slice3A_40 = vector.extract_strided_slice %get3A_34 {offsets = [0, 0], sizes = [1000, 256], strides = [1, 1]} : vector<1000x768xf32> to vector<1000x256xf32>
    %slice3A_41 = vector.extract_strided_slice %get3A_34 {offsets = [0, 256], sizes = [1000, 256], strides = [1, 1]} : vector<1000x768xf32> to vector<1000x256xf32>
    %slice3A_42 = vector.extract_strided_slice %get3A_34 {offsets = [0, 512], sizes = [1000, 256], strides = [1, 1]} : vector<1000x768xf32> to vector<1000x256xf32>
    %add3A_43 = arith.addf %slice3A, %slice3A_40 : vector<1000x256xf32>
    %logistic3A = arith.negf %add3A_43 : vector<1000x256xf32>
    %logistic3A_44 = math.exp %logistic3A : vector<1000x256xf32>
    %logistic3A_45 = arith.constant 1.000000e+00 : f32
    %logistic3A_46 = vector.broadcast %logistic3A_45 : f32 to vector<1000x256xf32>
    %logistic3A_47 = arith.addf %logistic3A_46, %logistic3A_44 : vector<1000x256xf32>
    %logistic3A_48 = arith.divf %logistic3A_46, %logistic3A_47 : vector<1000x256xf32>
    %add3A_49 = arith.addf %slice3A_38, %slice3A_41 : vector<1000x256xf32>
    %logistic3A_50 = arith.negf %add3A_49 : vector<1000x256xf32>
    %logistic3A_51 = math.exp %logistic3A_50 : vector<1000x256xf32>
    %logistic3A_52 = arith.constant 1.000000e+00 : f32
    %logistic3A_53 = vector.broadcast %logistic3A_52 : f32 to vector<1000x256xf32>
    %logistic3A_54 = arith.addf %logistic3A_53, %logistic3A_51 : vector<1000x256xf32>
    %logistic3A_55 = arith.divf %logistic3A_53, %logistic3A_54 : vector<1000x256xf32>
    %mul3A = arith.mulf %logistic3A_48, %slice3A_42 : vector<1000x256xf32>
    %add3A_56 = arith.addf %slice3A_39, %mul3A : vector<1000x256xf32>
    %tanh3A = math.tanh %add3A_56 : vector<1000x256xf32>
    %sub3A = arith.constant 1.000000e+00 : f32
    %sub3A_57 = vector.broadcast %sub3A : f32 to vector<1000x256xf32>
    %sub3A_58 = arith.subf %sub3A_57, %logistic3A_55 : vector<1000x256xf32>
    %mul3A_59 = arith.mulf %sub3A_58, %tanh3A : vector<1000x256xf32>
    %mul3A_60 = arith.mulf %logistic3A_55, %get3A_37 : vector<1000x256xf32>
    %add3A_61 = arith.addf %mul3A_59, %mul3A_60 : vector<1000x256xf32>
    %swap3A = arith.constant 0 : index
    %swap3A_62 = arith.constant 0 : index
    %swap3A_63 = vector.load %arg7[%swap3A, %swap3A_62] : memref<1000x256xf32, #tpu.memory_space<vmem>>, vector<1000x256xf32>
    tpu.vector_store %arg7[%swap3A, %swap3A_62], %add3A_61 {strides = array<i32>} : memref<1000x256xf32, #tpu.memory_space<vmem>>, vector<1000x256xf32>,
    return
  }
  func.func @transform_0(%arg0: i32) -> (i32, i32, i32) {
    %c0_i32 = arith.constant 0 : i32
    %c0_i32_0 = arith.constant 0 : i32
    %c0_i32_1 = arith.constant 0 : i32
    return %c0_i32, %arg0, %c0_i32_0 : i32, i32, i32
  }
  func.func @transform_1(%arg0: i32) -> (i32, i32, i32) {
    %c0_i32 = arith.constant 0 : i32
    %c0_i32_0 = arith.constant 0 : i32
    %c0_i32_1 = arith.constant 0 : i32
    %c0_i32_2 = arith.constant 0 : i32
    return %c0_i32, %c0_i32_0, %c0_i32_1 : i32, i32, i32
  }
  func.func @transform_2(%arg0: i32) -> (i32, i32) {
    %c0_i32 = arith.constant 0 : i32
    %c0_i32_0 = arith.constant 0 : i32
    return %arg0, %c0_i32 : i32, i32
  }
  func.func @transform_3(%arg0: i32) -> (i32, i32) {
    %c0_i32 = arith.constant 0 : i32
    %c0_i32_0 = arith.constant 0 : i32
    return %arg0, %c0_i32 : i32, i32
  }
  func.func @transform_4(%arg0: i32) -> (i32, i32) {
    %c0_i32 = arith.constant 0 : i32
    %c0_i32_0 = arith.constant 0 : i32
    %c0_i32_1 = arith.constant 0 : i32
    return %c0_i32, %c0_i32_0 : i32, i32
  }
  func.func @transform_5(%arg0: i32) -> (i32, i32) {
    %c0_i32 = arith.constant 0 : i32
    %c0_i32_0 = arith.constant 0 : i32
    %c0_i32_1 = arith.constant 0 : i32
    return %c0_i32, %c0_i32_0 : i32, i32
  }
  func.func @transform_6(%arg0: i32) -> (i32, i32) {
    %c0_i32 = arith.constant 0 : i32
    %c0_i32_0 = arith.constant 0 : i32
    return %arg0, %c0_i32 : i32, i32
  }
}

module attributes {stable_mosaic.version = 14 : i64} {
  func.func @_tc_b_body(%arg0: i32, %arg1: memref<2x1000x128xf32, #tpu.memory_space<vmem>>, %arg2: memref<2x1000x128xf32, #tpu.memory_space<vmem>>, %arg3: memref<1000x256xf32, #tpu.memory_space<vmem>>, %arg4: memref<1000x768xf32, #tpu.memory_space<vmem>>, %arg5: memref<768x256xf32, #tpu.memory_space<vmem>>, %arg6: memref<1x768xf32, #tpu.memory_space<vmem>>, %arg7: memref<1000x256xf32, #tpu.memory_space<vmem>>) attributes {dimension_semantics = [#tpu.dimension_semantics<arbitrary>], iteration_bounds = array<i64: 10>, scalar_prefetch = 0 : i64, scratch_operands = 0 : i64, tpu.core_type = #tpu.core_type<tc>, window_params = [{transform_indices = @transform_0, window_bounds = array<i64: 2, 1000, 128>}, {transform_indices = @transform_1, window_bounds = array<i64: 2, 1000, 128>}, {transform_indices = @transform_2, window_bounds = array<i64: 1000, 256>}, {transform_indices = @transform_3, window_bounds = array<i64: 1000, 768>}, {pipeline_mode = #tpu.pipeline_mode<synchronous>, transform_indices = @transform_4, window_bounds = array<i64: 768, 256>}, {pipeline_mode = #tpu.pipeline_mode<synchronous>, transform_indices = @transform_5, window_bounds = array<i64: 1, 768>}, {transform_indices = @transform_6, window_bounds = array<i64: 1000, 256>}]} {
    %iota3A = tpu.iota {dimensions = array<i32: 0>} : vector<1000x128xi32>
    %eq3A = arith.constant 9 : i32
    %eq3A_0 = arith.cmpi eq, %arg0, %eq3A : i32
    %ge3A = arith.constant 712 : i32
    %ge3A_1 = vector.broadcast %ge3A : i32 to vector<1000x128xi32>
    %ge3A_2 = arith.cmpi sge, %iota3A, %ge3A_1 : vector<1000x128xi32>
    %and3A = vector.broadcast %eq3A_0 : i1 to vector<1000x128xi1>
    %and3A_3 = arith.andi %and3A, %ge3A_2 : vector<1000x128xi1>
    %get3A = arith.constant 0 : index
    %get3A_4 = arith.constant 0 : index
    %get3A_5 = arith.constant 0 : index
    %get3A_6 = vector.load %arg2[%get3A, %get3A_4, %get3A_5] : memref<2x1000x128xf32, #tpu.memory_space<vmem>>, vector<1x1000x128xf32>
    %get3A_7 = vector.shape_cast %get3A_6 : vector<1x1000x128xf32> to vector<1000x128xf32>
    %get3A_8 = arith.constant 0 : index
    %get3A_9 = arith.constant 0 : index
    %get3A_10 = arith.constant 0 : index
    %get3A_11 = vector.load %arg1[%get3A_8, %get3A_9, %get3A_10] : memref<2x1000x128xf32, #tpu.memory_space<vmem>>, vector<1x1000x128xf32>
    %get3A_12 = vector.shape_cast %get3A_11 : vector<1x1000x128xf32> to vector<1000x128xf32>
    %select_n3A = arith.select %and3A_3, %get3A_7, %get3A_12 : vector<1000x128xi1>, vector<1000x128xf32>
    %get3A_13 = arith.constant 1 : index
    %get3A_14 = arith.constant 0 : index
    %get3A_15 = arith.constant 0 : index
    %get3A_16 = vector.load %arg2[%get3A_13, %get3A_14, %get3A_15] : memref<2x1000x128xf32, #tpu.memory_space<vmem>>, vector<1x1000x128xf32>
    %get3A_17 = vector.shape_cast %get3A_16 : vector<1x1000x128xf32> to vector<1000x128xf32>
    %get3A_18 = arith.constant 1 : index
    %get3A_19 = arith.constant 0 : index
    %get3A_20 = arith.constant 0 : index
    %get3A_21 = vector.load %arg1[%get3A_18, %get3A_19, %get3A_20] : memref<2x1000x128xf32, #tpu.memory_space<vmem>>, vector<1x1000x128xf32>
    %get3A_22 = vector.shape_cast %get3A_21 : vector<1x1000x128xf32> to vector<1000x128xf32>
    %select_n3A_23 = arith.select %and3A_3, %get3A_17, %get3A_22 : vector<1000x128xi1>, vector<1000x128xf32>
    %concatenate3A = tpu.concatenate %select_n3A, %select_n3A_23 in 1 : vector<1000x128xf32>, vector<1000x128xf32> -> vector<1000x256xf32>
    %get3A_24 = arith.constant 0 : index
    %get3A_25 = arith.constant 0 : index
    %get3A_26 = vector.load %arg5[%get3A_24, %get3A_25] : memref<768x256xf32, #tpu.memory_space<vmem>>, vector<768x256xf32>
    %dot_general3A = arith.constant dense<0.000000e+00> : vector<1000x768xf32>
    %dot_general3A_27 = tpu.matmul %concatenate3A, %get3A_26, %dot_general3A {dimension_numbers = #tpu.dot_dimension_numbers<[1], [1], [0], [0], [0, 0, 1, 0], [], []>, transpose_lhs_hint = false} : vector<1000x256xf32>, vector<768x256xf32>, vector<1000x768xf32> -> vector<1000x768xf32>
    %get3A_28 = arith.constant 0 : index
    %get3A_29 = arith.constant 0 : index
    %get3A_30 = vector.load %arg6[%get3A_28, %get3A_29] : memref<1x768xf32, #tpu.memory_space<vmem>>, vector<1x768xf32>
    %add3A = vector.broadcast %get3A_30 : vector<1x768xf32> to vector<1000x768xf32>
    %add3A_31 = arith.addf %dot_general3A_27, %add3A : vector<1000x768xf32>
    %get3A_32 = arith.constant 0 : index
    %get3A_33 = arith.constant 0 : index
    %get3A_34 = vector.load %arg4[%get3A_32, %get3A_33] : memref<1000x768xf32, #tpu.memory_space<vmem>>, vector<1000x768xf32>
    %get3A_35 = arith.constant 0 : index
    %get3A_36 = arith.constant 0 : index
    %get3A_37 = vector.load %arg3[%get3A_35, %get3A_36] : memref<1000x256xf32, #tpu.memory_space<vmem>>, vector<1000x256xf32>
    %slice3A = vector.extract_strided_slice %add3A_31 {offsets = [0, 0], sizes = [1000, 256], strides = [1, 1]} : vector<1000x768xf32> to vector<1000x256xf32>
    %slice3A_38 = vector.extract_strided_slice %add3A_31 {offsets = [0, 256], sizes = [1000, 256], strides = [1, 1]} : vector<1000x768xf32> to vector<1000x256xf32>
    %slice3A_39 = vector.extract_strided_slice %add3A_31 {offsets = [0, 512], sizes = [1000, 256], strides = [1, 1]} : vector<1000x768xf32> to vector<1000x256xf32>
    %slice3A_40 = vector.extract_strided_slice %get3A_34 {offsets = [0, 0], sizes = [1000, 256], strides = [1, 1]} : vector<1000x768xf32> to vector<1000x256xf32>
    %slice3A_41 = vector.extract_strided_slice %get3A_34 {offsets = [0, 256], sizes = [1000, 256], strides = [1, 1]} : vector<1000x768xf32> to vector<1000x256xf32>
    %slice3A_42 = vector.extract_strided_slice %get3A_34 {offsets = [0, 512], sizes = [1000, 256], strides = [1, 1]} : vector<1000x768xf32> to vector<1000x256xf32>
    %add3A_43 = arith.addf %slice3A, %slice3A_40 : vector<1000x256xf32>
    %logistic3A = arith.negf %add3A_43 : vector<1000x256xf32>
    %logistic3A_44 = math.exp %logistic3A : vector<1000x256xf32>
    %logistic3A_45 = arith.constant 1.000000e+00 : f32
    %logistic3A_46 = vector.broadcast %logistic3A_45 : f32 to vector<1000x256xf32>
    %logistic3A_47 = arith.addf %logistic3A_46, %logistic3A_44 : vector<1000x256xf32>
    %logistic3A_48 = arith.divf %logistic3A_46, %logistic3A_47 : vector<1000x256xf32>
    %add3A_49 = arith.addf %slice3A_38, %slice3A_41 : vector<1000x256xf32>
    %logistic3A_50 = arith.negf %add3A_49 : vector<1000x256xf32>
    %logistic3A_51 = math.exp %logistic3A_50 : vector<1000x256xf32>
    %logistic3A_52 = arith.constant 1.000000e+00 : f32
    %logistic3A_53 = vector.broadcast %logistic3A_52 : f32 to vector<1000x256xf32>
    %logistic3A_54 = arith.addf %logistic3A_53, %logistic3A_51 : vector<1000x256xf32>
    %logistic3A_55 = arith.divf %logistic3A_53, %logistic3A_54 : vector<1000x256xf32>
    %mul3A = arith.mulf %logistic3A_48, %slice3A_42 : vector<1000x256xf32>
    %add3A_56 = arith.addf %slice3A_39, %mul3A : vector<1000x256xf32>
    %tanh3A = math.tanh %add3A_56 : vector<1000x256xf32>
    %sub3A = arith.constant 1.000000e+00 : f32
    %sub3A_57 = vector.broadcast %sub3A : f32 to vector<1000x256xf32>
    %sub3A_58 = arith.subf %sub3A_57, %logistic3A_55 : vector<1000x256xf32>
    %mul3A_59 = arith.mulf %sub3A_58, %tanh3A : vector<1000x256xf32>
    %mul3A_60 = arith.mulf %logistic3A_55, %get3A_37 : vector<1000x256xf32>
    %add3A_61 = arith.addf %mul3A_59, %mul3A_60 : vector<1000x256xf32>
    %swap3A = arith.constant 0 : index
    %swap3A_62 = arith.constant 0 : index
    %swap3A_63 = vector.load %arg7[%swap3A, %swap3A_62] : memref<1000x256xf32, #tpu.memory_space<vmem>>, vector<1000x256xf32>
    tpu.vector_store %arg7[%swap3A, %swap3A_62], %add3A_61 {strides = array<i32>} : memref<1000x256xf32, #tpu.memory_space<vmem>>, vector<1000x256xf32>,
    return
  }
  func.func @transform_0(%arg0: i32) -> (i32, i32, i32) {
    %c0_i32 = arith.constant 0 : i32
    %c0_i32_0 = arith.constant 0 : i32
    %c0_i32_1 = arith.constant 0 : i32
    return %c0_i32, %arg0, %c0_i32_0 : i32, i32, i32
  }
  func.func @transform_1(%arg0: i32) -> (i32, i32, i32) {
    %c0_i32 = arith.constant 0 : i32
    %c0_i32_0 = arith.constant 0 : i32
    %c0_i32_1 = arith.constant 0 : i32
    %c0_i32_2 = arith.constant 0 : i32
    return %c0_i32, %c0_i32_0, %c0_i32_1 : i32, i32, i32
  }
  func.func @transform_2(%arg0: i32) -> (i32, i32) {
    %c0_i32 = arith.constant 0 : i32
    %c0_i32_0 = arith.constant 0 : i32
    return %arg0, %c0_i32 : i32, i32
  }
  func.func @transform_3(%arg0: i32) -> (i32, i32) {
    %c0_i32 = arith.constant 0 : i32
    %c0_i32_0 = arith.constant 0 : i32
    return %arg0, %c0_i32 : i32, i32
  }
  func.func @transform_4(%arg0: i32) -> (i32, i32) {
    %c0_i32 = arith.constant 0 : i32
    %c0_i32_0 = arith.constant 0 : i32
    %c0_i32_1 = arith.constant 0 : i32
    return %c0_i32, %c0_i32_0 : i32, i32
  }
  func.func @transform_5(%arg0: i32) -> (i32, i32) {
    %c0_i32 = arith.constant 0 : i32
    %c0_i32_0 = arith.constant 0 : i32
    %c0_i32_1 = arith.constant 0 : i32
    return %c0_i32, %c0_i32_0 : i32, i32
  }
  func.func @transform_6(%arg0: i32) -> (i32, i32) {
    %c0_i32 = arith.constant 0 : i32
    %c0_i32_0 = arith.constant 0 : i32
    return %arg0, %c0_i32 : i32, i32
  }
}

</mosaic_0001>

<sc_bundles>
// kernel: kernel.10.cloned.1.call-start
scs
__scs_entry_jumppad:
0x0: {  	(pc) =	sbr.rel $0x88, $3  }
0x1: {  	(tag) =	ssettag $0x0;
	lr =	simm.s32 $0x1  }
0x2: {  	[smem:$0x3F9A] =	sst lr;
	_ =	strace $0xD0000000  }
0x3: {  	_ = 	snop  }
0x4: {  	_ = 	snop  }
0x5: {  	_ = 	snop  }
0x6: {  	_ = 	snop  }
0x7: {  	_ = 	snop  }
__scs_overlays_trampoline_lowered:
0x8: {  	[smem:$0x3FA9] =	sst s0  }
0x9: {  	[smem:$0x3FAA] =	sst s1  }
0xa: {  	[smem:$0x3FAB] =	sst s2  }
0xb: {  	[smem:$0x3FAC] =	sst s3  }
0xc: {  	[smem:$0x3FAD] =	sst s4  }
0xd: {  	[smem:$0x3FAE] =	sst s5  }
0xe: {  	[smem:$0x3FAF] =	sst s6  }
0xf: {  	[smem:$0x3FB0] =	sst s7  }
0x10: {  	[smem:$0x3FB1] =	sst s8  }
0x11: {  	[smem:$0x3FB2] =	sst s9;
	s0 =	simm.s32 @!p0 $0x0  }
0x12: {  	s1 =	sld [smem:$0x3F98];
	s0 =	simm.s32 @p0 $0x1  }
0x13: {  	[smem:$0x3FB3] =	sst s0;
	s0 =	simm.s32 @!p1 $0x0  }
0x14: {  	s2 =	sld [smem:$0x3F97];
	s0 =	simm.s32 @p1 $0x1  }
0x15: {  	[smem:$0x3FB4] =	sst s0;
	s0 =	simm.s32 @!p2 $0x0  }
0x16: {  	s3 =	sld [smem:$0x3FDB];
	s0 =	simm.s32 @p2 $0x1  }
0x17: {  	s4 =	simm.s32 $0x1BF5;
	[smem:$0x3FB6] =	sst s0  }
0x18: {  	s0 =	sld [smem:$0x3F99];
	_ =	swait.ge [sflag:s4], $0x0  }
0x19: {  	s7 =	sld [smem:$0x3F9A]  }
0x1a: {  	s8 =	sadd.s32 $0xFFFFE003, lr  }
0x1b: {  	s9 =	sadd.s32 $0xFFFFFEF7, lr;
	s5 =	simm.s32 $0xFFFFFFFF;
	p2 =	slt.u32 s8, $0xFFFFF086  }
0x1c: {  	p1 =	slt.u32 s9, $0xF7A;
	s5 =	simm.s32 @!p2 $0x0  }
0x1d: {  	s5 =	simm.s32 @p1 $0x1;
	p0 =	seq.s32 s7, s2  }
0x1e: {  	s7 =	smul.u32 @!p0 $0xF7A, s2;
	p2 =	seq.s32 @!p0 s5, $0x0  }
0x1f: {  	s9 =	smul.u32 $0xF7A, s1;
	s8 =	simm.s32 @!p0 $0x1BF5;
	p2 =	por !p2, p0  }
0x20: {  	[sflag:s8] =	ssyncset.s32 @!p0 $0xFFFFF086;
	s6 =	sadd.s32 @!p0 s3, s7;
	s7 =	simm.s32 @!p0 $0x108  }
0x21: {  	s3 =	sadd.s32 s3, s9;
	s6 =	sadd.s32 @!p0 $0x88, s6;
	s7 =	simm.s32 @p2 $0x1082  }
0x22: {  	[simem:s7], [sflag:s8] =	dma.local @!p0 [hbm:s6], $0xF7A  }
0x23: {  	s9 =	sor.u32 $0xD0000000, s2;
	s6 =	simm.s32 $0x108;
	_ =	swait.ge @!p0 [sflag:s8], $0x0  }
0x24: {  	s3 =	sadd.s32 $0x88, s3;
	s6 =	simm.s32 @!p1 $0x1082;
	[sflag:s4] =	ssyncset.s32 $0xFFFFF086  }
0x25: {  	[simem:s6], [sflag:s4] =	dma.local [hbm:s3], $0xF7A  }
0x26: {  	[smem:$0x3F9A] =	sst s1;
	(tag) =	ssettag s2;
	_ =	strace s9  }
0x27: {  	s1 =	sld [smem:$0x3FAA]  }
0x28: {  	s2 =	sld [smem:$0x3FAB]  }
0x29: {  	s4 =	sld [smem:$0x3FAD]  }
0x2a: {  	p0 =	seq.s32 s5, $0x0;
	s5 =	sld [smem:$0x3FAE]  }
0x2b: {  	s6 =	sld [smem:$0x3FAF]  }
0x2c: {  	s7 =	sld [smem:$0x3FB0]  }
0x2d: {  	s3 =	simm.s32 $0x108;
	s8 =	sld [smem:$0x3FB1]  }
0x2e: {  	s3 =	simm.s32 @!p0 $0x1082;
	s9 =	sld [smem:$0x3FB2]  }
0x2f: {  	lr =	sadd.s32 s0, s3;
	s0 =	sld [smem:$0x3FA9]  }
0x30: {  	s3 =	sld [smem:$0x3FAC]  }
0x31: {  	[smem:$0x3FB5] =	sst s10  }
0x32: {  	s10 =	sld [smem:$0x3FB3];
	_ =	sdelay $0x3  }
0x33: {  	p0 =	seq.s32 s10, $0x1;
	s10 =	sld [smem:$0x3FB5];
	_ =	sdelay $0x3  }
0x34: {  	[smem:$0x3FB5] =	sst s10  }
0x35: {  	s10 =	sld [smem:$0x3FB4];
	_ =	sdelay $0x3  }
0x36: {  	p1 =	seq.s32 s10, $0x1;
	s10 =	sld [smem:$0x3FB5];
	_ =	sdelay $0x3  }
0x37: {  	[smem:$0x3FB5] =	sst s10  }
0x38: {  	s10 =	sld [smem:$0x3FB6]  }
0x39: {  	_ = 	snop;
	(pc) =	sbr.ind lr, $3  }
0x3a: {  	_ = 	snop  }
0x3b: {  	_ = 	snop  }
0x3c: {  	p2 =	seq.s32 s10, $0x1;
	s10 =	sld [smem:$0x3FB5]  }
0x3d: {  	_ =	shalt  }
0x3e: {  	_ =	shalt  }
0x3f: {  	_ =	shalt  }
0x40: {  	_ =	shalt  }
0x41: {  	_ =	shalt  }
0x42: {  	_ =	shalt  }
0x43: {  	_ =	shalt  }
0x44: {  	_ =	shalt  }
0x45: {  	_ =	shalt  }
0x46: {  	_ =	shalt  }
0x47: {  	_ =	shalt  }
0x48: {  	_ =	shalt  }
0x49: {  	_ =	shalt  }
0x4a: {  	_ =	shalt  }
0x4b: {  	_ =	shalt  }
0x4c: {  	_ =	shalt  }
0x4d: {  	_ =	shalt  }
0x4e: {  	_ =	shalt  }
0x4f: {  	_ =	shalt  }
0x50: {  	_ =	shalt  }
0x51: {  	_ =	shalt  }
0x52: {  	_ =	shalt  }
0x53: {  	_ =	shalt  }
0x54: {  	_ =	shalt  }
0x55: {  	_ =	shalt  }
0x56: {  	_ =	shalt  }
0x57: {  	_ =	shalt  }
0x58: {  	_ =	shalt  }
0x59: {  	_ =	shalt  }
0x5a: {  	_ =	shalt  }
0x5b: {  	_ =	shalt  }
0x5c: {  	_ =	shalt  }
0x5d: {  	_ =	shalt  }
0x5e: {  	_ =	shalt  }
0x5f: {  	_ =	shalt  }
0x60: {  	_ =	shalt  }
0x61: {  	_ =	shalt  }
0x62: {  	_ =	shalt  }
0x63: {  	_ =	shalt  }
0x64: {  	_ =	shalt  }
0x65: {  	_ =	shalt  }
0x66: {  	_ =	shalt  }
0x67: {  	_ =	shalt  }
0x68: {  	_ =	shalt  }
0x69: {  	_ =	shalt  }
0x6a: {  	_ =	shalt  }
0x6b: {  	_ =	shalt  }
0x6c: {  	_ =	shalt  }
0x6d: {  	_ =	shalt  }
0x6e: {  	_ =	shalt  }
0x6f: {  	_ =	shalt  }
0x70: {  	_ =	shalt  }
0x71: {  	_ =	shalt  }
0x72: {  	_ =	shalt  }
0x73: {  	_ =	shalt  }
0x74: {  	_ =	shalt  }
0x75: {  	_ =	shalt  }
0x76: {  	_ =	shalt  }
0x77: {  	_ =	shalt  }
0x78: {  	_ =	shalt  }
0x79: {  	_ =	shalt  }
0x7a: {  	_ =	shalt  }
0x7b: {  	_ =	shalt  }
0x7c: {  	_ =	shalt  }
0x7d: {  	_ =	shalt  }
0x7e: {  	_ =	shalt  }
0x7f: {  	_ =	shalt  }
0x80: {  	_ =	shalt  }
0x81: {  	_ =	shalt  }
0x82: {  	_ =	shalt  }
0x83: {  	_ =	shalt  }
0x84: {  	_ =	shalt  }
0x85: {  	_ =	shalt  }
0x86: {  	_ =	shalt  }
0x87: {  	_ =	shalt  }
.Lfunc_end0:
.L_simem_size_0:
called_computation_lowered:
.L_overlay_start_0:
0x88: {  	s2 =	sld [smem:$0x3FD9]  }
0x89: {  	s3 =	sld [smem:$0x3FFE];
	_ =	sdelay $0x1  }
0x8a: {  	s1 =	srdreg.scid  }
0x8b: {  	s0 =	sand.u32 $0x1, s1  }
0x8c: {  	s17 =	sshll.u32 s0, $0xA;
	s2 =	sadd.s32 s3, s2  }
0x8d: {  	s2 =	sadd.s32 s2, s17  }
0x8e: {  	[smem:$0x3FC1] =	sst s2  }
0x8f: {  	_ = 	snop  }
0x90: {  	s18 =	sld [smem:$0x3FD0];
	(tm) =	ssettm $0x1  }
0x91: {  	s19 =	sld [smem:$0x3FFB];
	_ =	sdelay $0x3  }
0x92: {  	_ =	strace s19  }
0x93: {  	s2 =	sld [smem:$0x3FFC];
	_ =	sdelay $0x3  }
0x94: {  	_ =	strace s2  }
0x95: {  	s2 =	sld [smem:$0x3FFD];
	_ =	sdelay $0x3  }
0x96: {  	_ =	strace s2  }
0x97: {  	_ =	strace $0x8FFFFFFF  }
0x98: {  	s20 =	sld [smem:$0x3FDB];
	_ =	sdelay $0x1  }
0x99: {  	s4 =	simm.s32 $_scs_section_size  }
0x9a: {  	s5 =	simm.s32 $_size__tile_overlayer_lowered;
	s6 =	simm.s32 $_tile_overlayer_lowered  }
0x9b: {  	s7 =	simm.s32 $0x1BFF;
	s21 =	sshll.u32 s6, $0x1;
	s4 =	sadd.s32 s4, s20  }
0x9c: {  	s22 =	simm.s32 $0x0;
	s5 =	sshll.u32 s5, $0x1;
	s6 =	sadd.s32 s21, s4  }
0x9d: {  	[timem:s22], [sflag:s7] =	dma.local [hbm:s6], s5  }
0x9e: {  	_ =	swait.ge [sflag:s7], s5  }
0x9f: {  	s5 =	ssub.s32 $0x0, s5;
	[sflag:s7] =	ssyncset.done $0x0  }
0xa0: {  	[sflag:s7] =	ssyncadd.s32 s5;
	_ =	sdelay $0x1  }
0xa1: {  	s23 =	simm.s32 $0x1B8B  }
0xa2: {  	_ =	swait.ge [sflag:s23], $0x1  }
0xa3: {  	[sflag:s23] =	ssyncset.done $0x0  }
0xa4: {  	[sflag:s23] =	ssyncadd.s32 $0xFFFFFFFF  }
0xa5: {  	s5 =	sld [smem:$0x0]  }
0xa6: {  	s6 =	sand.u32 $0xFFFFFFFE, s1  }
0xa7: {  	p0 =	sne.s32 s1, s6  }
0xa8: {  	s6 =	sshll.u32 @p0 s6, $0xE  }
0xa9: {  	s6 =	sadd.s32 @p0 $0x11B8D, s6;
	s7 =	sshll.u32 @p0 s5, $0x11  }
0xaa: {  	s6 =	sor.u32 @p0 s7, s6  }
0xab: {  	[sflag:s6] =	ssyncadd.remote.s32 @p0 $0x1;
	_ =	sdelay $0x1  }
0xac: {  	s6 =	simm.s32 @p0 $0x1B8D  }
0xad: {  	_ =	swait.eq @p0 [sflag:s6], $0x1  }
0xae: {  	[sflag:s6] =	ssyncadd.s32 @p0 $0xFFFFFFFF  }
0xaf: {  	s7 =	sshll.u32 @!p0 s1, $0xE  }
0xb0: {  	s7 =	sor.u32 @!p0 $0x4000, s7;
	s6 =	simm.s32 @!p0 $0x1B8D  }
0xb1: {  	s5 =	sshll.u32 @!p0 s5, $0x11;
	s7 =	sadd.s32 @!p0 $0x11B8D, s7;
	_ =	swait.eq @!p0 [sflag:s6], $0x1  }
0xb2: {  	s5 =	sor.u32 @!p0 s5, s7;
	[sflag:s6] =	ssyncadd.s32 @!p0 $0xFFFFFFFF  }
0xb3: {  	s25 =	simm.s32 $0x1B8E;
	s24 =	sld [smem:$0x3FFE];
	[sflag:s5] =	ssyncadd.remote.s32 @!p0 $0x1  }
0xb4: {  	s26 =	simm.s32 $execute0_lowered;
	[smem:$0x3FD2] =	sst s25  }
0xb5: {  	s6 =	sshll.u32 s26, $0x1;
	_ =	strace $0x80000049;
	[dreg:$0x1] =	wrdreg $0xFFFFFFFF  }
0xb6: {  	s28 =	simm.s32 $_size_execute0_lowered;
	s4 =	sadd.s32 s4, s6;
	[dreg:$0x0] =	wrdreg $0x0  }
0xb7: {  	s6 =	sshll.u32 s28, $0x1;
	[dreg:$0x2] =	wrdreg s4  }
0xb8: {  	[dreg:$0x3] =	wrdreg s6  }
0xb9: {  	[dreg:$0x4] =	wrdreg $0xC0  }
0xba: {  	_ =	task [dreg:s22], $0x5FFFF  }
0xbb: {  	[dreg:$0x1] =	wrdreg $0xFFFFFFFF  }
0xbc: {  	[dreg:$0x0] =	wrdreg $0x60  }
0xbd: {  	[dreg:$0x2] =	wrdreg s18  }
0xbe: {  	[dreg:$0x3] =	wrdreg s24  }
0xbf: {  	[dreg:$0x4] =	wrdreg $0xD0000  }
0xc0: {  	[dreg:$0x5] =	wrdreg $0x9  }
0xc1: {  	_ =	task.clear_ibuf [dreg:s22], $0x6FFFF;
	_ =	strace $0x90000049  }
0xc2: {  	s29 =	simm.s32 $0x9;
	_ =	strace $0x8000004B  }
0xc3: {  	_ =	swait.ge [sflag:s29], $0x1  }
0xc4: {  	[sflag:s29] =	ssyncadd.s32 $0xFFFFFFFF  }
0xc5: {  	_ =	strace $0x9000004B  }
0xc6: {  	_ =	sfence  }
0xc7: {  	s30 =	sld [smem:$0x0];
	_ =	sdelay $0x2  }
0xc8: {  	s31 =	sshll.u32 s1, $0xD;
	s1 =	sshrl.u32 s1, $0x2  }
0xc9: {  	s4 =	sand.u32 $0x4000, s31;
	s1 =	sadd.s32 s1, s30  }
0xca: {  	s0 =	sor.u32 s4, s0;
	s1 =	sshll.u32 s1, $0x11  }
0xcb: {  	s0 =	sor.u32 s1, s0  }
0xcc: {  	s0 =	sadd.s32 $0x8F2B, s0  }
0xcd: {  	[sflag:s0] =	ssyncadd.remote.s32 $0x1  }
0xce: {  	_ =	sfence.sel $0xFFFF  }
0xcf: {  	[dreg:$0x0] =	wrdreg $0xFFFFFFFF;
	(pc) =	sbr.abs _section_cstart, $3  }
0xd0: {  	[dreg:$0x1] =	wrdreg $0xFFFFFFFF  }
0xd1: {  	_ =	task.clear_ibuf [dreg:s22], $0x2FFFF;
	_ =	strace $0x9FFFFFFF  }
0xd2: {  	(tm) =	ssettm $0x7FFFFFFF  }
0xd3: {  	_ =	shalt  }
tec
execute0_lowered:
.L_overlay_start_1:
0x0: {  	(tag) =	ssettag $0x1  }
0x1: {  	s1 =	rddreg [dreg:$0x0];
	s2 =	srdreg.scid  }
0x2: {  	s0 =	stileid.u32;
	s6 =	rddreg [dreg:$0x1]  }
0x3: {  	s3 =	rddreg [dreg:$0x2];
	s4 =	simm.s32 $0x0;
	s14 =	simm.s32 $0x80  }
0x4: {  	s15 =	simm.s32 $0x5000;
	s16 =	simm.s32 $0x9000;
	s17 =	simm.s32 $0x1  }
0x5: {  	s18 =	simm.s32 $0x2;
	s19 =	simm.s32 $0x4F00;
	s7 =	smul.u32 $0x2800, s0  }
0x6: {  	s20 =	simm.s32 $0x4F80;
	s21 =	simm.s32 $0x0;
	s10 =	smul.u32 $0x13000, s0  }
0x7: {  	s5 =	sand.u32 $0x1, s2;
	s2 =	rddreg [dreg:$0x3];
	s11 =	smul.u32 $0x4C000, s0  }
0x8: {  	[smem:$0x7FF] =	sst s4;
	s31 =	sshll.u32 s0, $0x6;
	s8 =	smul.u32 $0x28000, s5  }
0x9: {  	s9 =	smul.u32 $0x140000, s5;
	_ =	strace $0x8000004A;
	s30 =	ssub.s32 $0x2, s5  }
0xa: {  	s5 =	sadd.s32 $0x101800, s6;
	s12 =	sshrl.u32 s30, $0x1;
	s11 =	sshrl.u32 s11, $0x2  }
0xb: {  	s8 =	sadd.s32 s7, s8;
	s7 =	sshrl.u32 s7, $0x3;
	s9 =	sadd.s32 s10, s9  }
0xc: {  	s10 =	ssub.s32 s30, s12;
	s13 =	sadd.s32 s11, s3;
	s11 =	simm.s32 $0x2800  }
0xd: {  	s12 =	sor.u32 $0x1C03, s31;
	s8 =	sshrl.u32 s8, $0x3;
	s7 =	sadd.s32 s7, s6  }
0xe: {  	s9 =	sshrl.u32 s9, $0x3;
	s13 =	sshrl.u32 s13, $0x3;
	s8 =	sadd.s32 s8, s6  }
0xf: {  	s9 =	sadd.s32 s9, s6;
	s7 =	sadd.s32 $0x12200, s7;
	s6 =	sadd.s32 $0x3200, s8  }
0x10: {  	s8 =	sadd.s32 $0x10BE00, s9;
	s9 =	smax.u32 s10, $0x1;
	s10 =	simm.s32 $0x3  }
.LBB2_1:
0x11: {  	[tilespmem:s4], [sflag:$0x3] =	stream.linear.gather [hbm4b:s6+s4], $0x2800, $0x38;
	v63 =	vld [tilespmem:$0x0]  }
0x12: {  	_ =	swait.ge [sflag:s10], $0x2800  }
0x13: {  	[sflag:s10] =	ssyncset.done $0x0  }
0x14: {  	[sflag:s10] =	ssyncadd.s32 $0xFFFFD800  }
0x15: {  	[tilespmem:s11], [sflag:$0x3] =	stream.linear.gather [hbm4b:s7+s4], $0x2800, $0x38;
	v63 =	vld [tilespmem:$0x0]  }
0x16: {  	_ =	swait.ge [sflag:s10], $0x2800  }
0x17: {  	[sflag:s10] =	ssyncset.done $0x0  }
0x18: {  	[sflag:s10] =	ssyncadd.s32 $0xFFFFD800  }
0x19: {  	[spmem:s13], [sflag:s12] =	dma.local [hbm:s5], $0x2600  }
0x1a: {  	_ =	swait.ge [sflag:s10], $0x2600  }
0x1b: {  	[sflag:s10] =	ssyncset.done $0x0  }
0x1c: {  	[sflag:s10] =	ssyncadd.s32 $0xFFFFDA00  }
0x1d: {  	[bflag:$0x0] =	sbarrier.arrive $0xFFFF  }
0x1e: {  	[tilespmem:s15], [sflag:$0x1] =	stream.indirect.gather [hbm4b:s1+s14], $0x80, s4, s14, $0xb8;
	v63 =	vld [tilespmem:$0x0]  }
0x1f: {  	_ = 	snop  }
0x20: {  	[tilespmem:s16], [sflag:$0x2] =	stream.indirect.gather [hbm4b:s1+s14], $0x80, s14, s14, $0xb8;
	v63 =	vld [tilespmem:$0x0]  }
0x21: {  	_ =	swait.ge [sflag:s17], $0x4000  }
0x22: {  	[sflag:s17] =	ssyncset.done $0x0  }
0x23: {  	s22 =	simm.s32 $0x2800;
	[sflag:s17] =	ssyncadd.s32 $0xFFFFC000  }
0x24: {  	[spmem:s3] =	stream.indirect.scatter.add.f32 [tilespmem:s15], [sflag:$0x3], $0x80, s22, s14, $0xb8;
	v63 =	vld [tilespmem:$0x0]  }
0x25: {  	_ =	swait.ge [sflag:s10], $0x4000  }
0x26: {  	[sflag:s10] =	ssyncset.done $0x0  }
0x27: {  	s30 =	simm.s32 $0x100;
	[sflag:s10] =	ssyncadd.s32 $0xFFFFC000  }
0x28: {  	[tilespmem:s15], [sflag:$0x1] =	stream.indirect.gather [hbm4b:s1+s14], $0x80, s30, s14, $0xb8;
	v63 =	vld [tilespmem:$0x0]  }
0x29: {  	_ =	swait.ge [sflag:s18], $0x4000  }
0x2a: {  	[sflag:s18] =	ssyncset.done $0x0  }
0x2b: {  	s31 =	simm.s32 $0x2880;
	[sflag:s18] =	ssyncadd.s32 $0xFFFFC000  }
0x2c: {  	[spmem:s3] =	stream.indirect.scatter.add.f32 [tilespmem:s16], [sflag:$0x3], $0x80, s31, s14, $0xb8;
	v63 =	vld [tilespmem:$0x0]  }
0x2d: {  	_ =	swait.ge [sflag:s10], $0x4000  }
0x2e: {  	[sflag:s10] =	ssyncset.done $0x0  }
0x2f: {  	s23 =	simm.s32 $0x180;
	s22 =	simm.s32 $0x400;
	[sflag:s10] =	ssyncadd.s32 $0xFFFFC000  }
.LBB2_2:
0x30: {  	[tilespmem:s16], [sflag:$0x2] =	stream.indirect.gather [hbm4b:s1+s14], $0x80, s23, s14, $0xb8;
	v63 =	vld [tilespmem:$0x0]  }
0x31: {  	s23 =	smov.u32 s22  }
0x32: {  	p0 =	sne.s32 s22, $0x9800;
	s22 =	sadd.s32 $0x400, s22;
	_ =	swait.ge [sflag:s17], $0x4000  }
0x33: {  	s23 =	sshra.s32 s23, $0x2;
	[sflag:s17] =	ssyncset.done $0x0  }
0x34: {  	s24 =	sadd.s32 $0x2800, s23;
	[sflag:s17] =	ssyncadd.s32 $0xFFFFC000  }
0x35: {  	[spmem:s3] =	stream.indirect.scatter.add.f32 [tilespmem:s15], [sflag:$0x3], $0x80, s24, s14, $0xb8;
	v63 =	vld [tilespmem:$0x0]  }
0x36: {  	_ =	swait.ge [sflag:s10], $0x4000  }
0x37: {  	[sflag:s10] =	ssyncset.done $0x0  }
0x38: {  	s24 =	sadd.s32 $0x100, s23;
	[sflag:s10] =	ssyncadd.s32 $0xFFFFC000  }
0x39: {  	[tilespmem:s15], [sflag:$0x1] =	stream.indirect.gather [hbm4b:s1+s14], $0x80, s24, s14, $0xb8;
	v63 =	vld [tilespmem:$0x0]  }
0x3a: {  	_ =	swait.ge [sflag:s18], $0x4000  }
0x3b: {  	[sflag:s18] =	ssyncset.done $0x0  }
.Ltmp0:
0x3c: {  	s24 =	sadd.s32 $0x2880, s23;
	[sflag:s18] =	ssyncadd.s32 $0xFFFFC000;
	(pc) =	sbr.rel @p0 .LBB2_2-.Ltmp0, $4  }
0x3d: {  	[spmem:s3] =	stream.indirect.scatter.add.f32 [tilespmem:s16], [sflag:$0x3], $0x80, s24, s14, $0xb8;
	v63 =	vld [tilespmem:$0x0]  }
0x3e: {  	_ =	swait.ge [sflag:s10], $0x4000  }
0x3f: {  	[sflag:s10] =	ssyncset.done $0x0  }
0x40: {  	s23 =	sadd.s32 $0x180, s23;
	[sflag:s10] =	ssyncadd.s32 $0xFFFFC000  }
0x41: {  	[tilespmem:s16], [sflag:$0x2] =	stream.indirect.gather [hbm4b:s1+s14], $0x80, s23, s14, $0xb8;
	v63 =	vld [tilespmem:$0x0]  }
0x42: {  	_ =	swait.ge [sflag:s17], $0x4000  }
0x43: {  	[sflag:s17] =	ssyncset.done $0x0  }
0x44: {  	[sflag:s17] =	ssyncadd.s32 $0xFFFFC000  }
0x45: {  	[spmem:s3] =	stream.indirect.scatter.add.f32 [tilespmem:s15], [sflag:$0x3], $0x80, s19, s14, $0xb8;
	v63 =	vld [tilespmem:$0x0]  }
0x46: {  	_ =	swait.ge [sflag:s10], $0x4000  }
0x47: {  	[sflag:s10] =	ssyncset.done $0x0  }
0x48: {  	[sflag:s10] =	ssyncadd.s32 $0xFFFFC000  }
0x49: {  	_ =	swait.ge [sflag:s18], $0x4000  }
0x4a: {  	[sflag:s18] =	ssyncset.done $0x0  }
0x4b: {  	[sflag:s18] =	ssyncadd.s32 $0xFFFFC000  }
0x4c: {  	[spmem:s3] =	stream.indirect.scatter.add.f32 [tilespmem:s16], [sflag:$0x3], $0x80, s20, s14, $0xb8;
	v63 =	vld [tilespmem:$0x0]  }
0x4d: {  	_ =	swait.ge [sflag:s10], $0x4000  }
0x4e: {  	s21 =	sadd.s32 $0x1, s21;
	[sflag:s10] =	ssyncset.done $0x0  }
0x4f: {  	p0 =	sne.s32 s21, s9;
	[sflag:s10] =	ssyncadd.s32 $0xFFFFC000  }
.Ltmp1:
0x50: {  	[bflag:$0x0] =	sbarrier.arrive $0xFFFF;
	(pc) =	sbr.rel @p0 .LBB2_1-.Ltmp1, $4  }
0x51: {  	[hbm:s8], [sflag:s12] =	dma.local [spmem:s13], $0x2600  }
0x52: {  	_ =	swait.ge [sflag:s10], $0x2600  }
0x53: {  	[sflag:s10] =	ssyncset.done $0x0  }
0x54: {  	[sflag:s10] =	ssyncadd.s32 $0xFFFFDA00  }
0x55: {  	_ =	sfence.sel $0x180000  }
0x56: {  	[bflag:$0x0] =	sbarrier.arrive $0xFFFF  }
0x57: {  	p0 =	sne.s32 s0, $0x0;
	_ =	strace $0x9000004A  }
0x58: {  	s0 =	sadd.s32 @!p0 $0x100000, s2;
	[bflag:$0x2] =	sbarrier.arrive $0xFFFF  }
0x59: {  	[sflag:s0] =	ssyncadd.tile.s32 @!p0 $0x1;
	_ =	shalt  }
.Lfunc_end2:
_tile_overlayer_lowered:
.L_overlay_start_2:
0x5a: {  	(tag) =	ssettag $0x2  }
0x5b: {  	s0 =	rddreg [dreg:$0x0];
	s2 =	stileid.u32  }
0x5c: {  	s1 =	rddreg [dreg:$0x1];
	p0 =	sne.s32 s2, $0x0  }
0x5d: {  	s3 =	rddreg [dreg:$0x2];
	[bflag:$0x3] =	sbarrier.arrive $0xFFFF;
	s2 =	simm.s32 @!p0 $0x1C03  }
0x5e: {  	[timem:s3], [sflag:s2] =	dma.local @!p0 [hbm:s0], s1  }
0x5f: {  	s0 =	simm.s32 @!p0 $0x3  }
0x60: {  	_ =	swait.ge @!p0 [sflag:s0], s1  }
0x61: {  	s1 =	ssub.s32 @!p0 $0x0, s1;
	[sflag:s0] =	ssyncset.done @!p0 $0x0  }
0x62: {  	[sflag:s0] =	ssyncadd.s32 @!p0 s1  }
0x63: {  	[bflag:$0x3] =	sbarrier.arrive $0xFFFF  }
0x64: {  	_ =	shalt  }

// kernel: kernel.13.cloned.1.call-start
scs
__scs_entry_jumppad:
0x0: {  	(pc) =	sbr.rel $0x88, $3  }
0x1: {  	(tag) =	ssettag $0x0;
	lr =	simm.s32 $0x1  }
0x2: {  	[smem:$0x3F9A] =	sst lr;
	_ =	strace $0xD0000000  }
0x3: {  	_ = 	snop  }
0x4: {  	_ = 	snop  }
0x5: {  	_ = 	snop  }
0x6: {  	_ = 	snop  }
0x7: {  	_ = 	snop  }
__scs_overlays_trampoline_lowered:
0x8: {  	[smem:$0x3FA9] =	sst s0  }
0x9: {  	[smem:$0x3FAA] =	sst s1  }
0xa: {  	[smem:$0x3FAB] =	sst s2  }
0xb: {  	[smem:$0x3FAC] =	sst s3  }
0xc: {  	[smem:$0x3FAD] =	sst s4  }
0xd: {  	[smem:$0x3FAE] =	sst s5  }
0xe: {  	[smem:$0x3FAF] =	sst s6  }
0xf: {  	[smem:$0x3FB0] =	sst s7  }
0x10: {  	[smem:$0x3FB1] =	sst s8  }
0x11: {  	[smem:$0x3FB2] =	sst s9;
	s0 =	simm.s32 @!p0 $0x0  }
0x12: {  	s1 =	sld [smem:$0x3F98];
	s0 =	simm.s32 @p0 $0x1  }
0x13: {  	[smem:$0x3FB3] =	sst s0;
	s0 =	simm.s32 @!p1 $0x0  }
0x14: {  	s2 =	sld [smem:$0x3F97];
	s0 =	simm.s32 @p1 $0x1  }
0x15: {  	[smem:$0x3FB4] =	sst s0;
	s0 =	simm.s32 @!p2 $0x0  }
0x16: {  	s3 =	sld [smem:$0x3FDB];
	s0 =	simm.s32 @p2 $0x1  }
0x17: {  	s4 =	simm.s32 $0x1BF5;
	[smem:$0x3FB6] =	sst s0  }
0x18: {  	s0 =	sld [smem:$0x3F99];
	_ =	swait.ge [sflag:s4], $0x0  }
0x19: {  	s7 =	sld [smem:$0x3F9A]  }
0x1a: {  	s8 =	sadd.s32 $0xFFFFE003, lr  }
0x1b: {  	s9 =	sadd.s32 $0xFFFFFEF7, lr;
	s5 =	simm.s32 $0xFFFFFFFF;
	p2 =	slt.u32 s8, $0xFFFFF086  }
0x1c: {  	p1 =	slt.u32 s9, $0xF7A;
	s5 =	simm.s32 @!p2 $0x0  }
0x1d: {  	s5 =	simm.s32 @p1 $0x1;
	p0 =	seq.s32 s7, s2  }
0x1e: {  	s7 =	smul.u32 @!p0 $0xF7A, s2;
	p2 =	seq.s32 @!p0 s5, $0x0  }
0x1f: {  	s9 =	smul.u32 $0xF7A, s1;
	s8 =	simm.s32 @!p0 $0x1BF5;
	p2 =	por !p2, p0  }
0x20: {  	[sflag:s8] =	ssyncset.s32 @!p0 $0xFFFFF086;
	s6 =	sadd.s32 @!p0 s3, s7;
	s7 =	simm.s32 @!p0 $0x108  }
0x21: {  	s3 =	sadd.s32 s3, s9;
	s6 =	sadd.s32 @!p0 $0x88, s6;
	s7 =	simm.s32 @p2 $0x1082  }
0x22: {  	[simem:s7], [sflag:s8] =	dma.local @!p0 [hbm:s6], $0xF7A  }
0x23: {  	s9 =	sor.u32 $0xD0000000, s2;
	s6 =	simm.s32 $0x108;
	_ =	swait.ge @!p0 [sflag:s8], $0x0  }
0x24: {  	s3 =	sadd.s32 $0x88, s3;
	s6 =	simm.s32 @!p1 $0x1082;
	[sflag:s4] =	ssyncset.s32 $0xFFFFF086  }
0x25: {  	[simem:s6], [sflag:s4] =	dma.local [hbm:s3], $0xF7A  }
0x26: {  	[smem:$0x3F9A] =	sst s1;
	(tag) =	ssettag s2;
	_ =	strace s9  }
0x27: {  	s1 =	sld [smem:$0x3FAA]  }
0x28: {  	s2 =	sld [smem:$0x3FAB]  }
0x29: {  	s4 =	sld [smem:$0x3FAD]  }
0x2a: {  	p0 =	seq.s32 s5, $0x0;
	s5 =	sld [smem:$0x3FAE]  }
0x2b: {  	s6 =	sld [smem:$0x3FAF]  }
0x2c: {  	s7 =	sld [smem:$0x3FB0]  }
0x2d: {  	s3 =	simm.s32 $0x108;
	s8 =	sld [smem:$0x3FB1]  }
0x2e: {  	s3 =	simm.s32 @!p0 $0x1082;
	s9 =	sld [smem:$0x3FB2]  }
0x2f: {  	lr =	sadd.s32 s0, s3;
	s0 =	sld [smem:$0x3FA9]  }
0x30: {  	s3 =	sld [smem:$0x3FAC]  }
0x31: {  	[smem:$0x3FB5] =	sst s10  }
0x32: {  	s10 =	sld [smem:$0x3FB3];
	_ =	sdelay $0x3  }
0x33: {  	p0 =	seq.s32 s10, $0x1;
	s10 =	sld [smem:$0x3FB5];
	_ =	sdelay $0x3  }
0x34: {  	[smem:$0x3FB5] =	sst s10  }
0x35: {  	s10 =	sld [smem:$0x3FB4];
	_ =	sdelay $0x3  }
0x36: {  	p1 =	seq.s32 s10, $0x1;
	s10 =	sld [smem:$0x3FB5];
	_ =	sdelay $0x3  }
0x37: {  	[smem:$0x3FB5] =	sst s10  }
0x38: {  	s10 =	sld [smem:$0x3FB6]  }
0x39: {  	_ = 	snop;
	(pc) =	sbr.ind lr, $3  }
0x3a: {  	_ = 	snop  }
0x3b: {  	_ = 	snop  }
0x3c: {  	p2 =	seq.s32 s10, $0x1;
	s10 =	sld [smem:$0x3FB5]  }
0x3d: {  	_ =	shalt  }
0x3e: {  	_ =	shalt  }
0x3f: {  	_ =	shalt  }
0x40: {  	_ =	shalt  }
0x41: {  	_ =	shalt  }
0x42: {  	_ =	shalt  }
0x43: {  	_ =	shalt  }
0x44: {  	_ =	shalt  }
0x45: {  	_ =	shalt  }
0x46: {  	_ =	shalt  }
0x47: {  	_ =	shalt  }
0x48: {  	_ =	shalt  }
0x49: {  	_ =	shalt  }
0x4a: {  	_ =	shalt  }
0x4b: {  	_ =	shalt  }
0x4c: {  	_ =	shalt  }
0x4d: {  	_ =	shalt  }
0x4e: {  	_ =	shalt  }
0x4f: {  	_ =	shalt  }
0x50: {  	_ =	shalt  }
0x51: {  	_ =	shalt  }
0x52: {  	_ =	shalt  }
0x53: {  	_ =	shalt  }
0x54: {  	_ =	shalt  }
0x55: {  	_ =	shalt  }
0x56: {  	_ =	shalt  }
0x57: {  	_ =	shalt  }
0x58: {  	_ =	shalt  }
0x59: {  	_ =	shalt  }
0x5a: {  	_ =	shalt  }
0x5b: {  	_ =	shalt  }
0x5c: {  	_ =	shalt  }
0x5d: {  	_ =	shalt  }
0x5e: {  	_ =	shalt  }
0x5f: {  	_ =	shalt  }
0x60: {  	_ =	shalt  }
0x61: {  	_ =	shalt  }
0x62: {  	_ =	shalt  }
0x63: {  	_ =	shalt  }
0x64: {  	_ =	shalt  }
0x65: {  	_ =	shalt  }
0x66: {  	_ =	shalt  }
0x67: {  	_ =	shalt  }
0x68: {  	_ =	shalt  }
0x69: {  	_ =	shalt  }
0x6a: {  	_ =	shalt  }
0x6b: {  	_ =	shalt  }
0x6c: {  	_ =	shalt  }
0x6d: {  	_ =	shalt  }
0x6e: {  	_ =	shalt  }
0x6f: {  	_ =	shalt  }
0x70: {  	_ =	shalt  }
0x71: {  	_ =	shalt  }
0x72: {  	_ =	shalt  }
0x73: {  	_ =	shalt  }
0x74: {  	_ =	shalt  }
0x75: {  	_ =	shalt  }
0x76: {  	_ =	shalt  }
0x77: {  	_ =	shalt  }
0x78: {  	_ =	shalt  }
0x79: {  	_ =	shalt  }
0x7a: {  	_ =	shalt  }
0x7b: {  	_ =	shalt  }
0x7c: {  	_ =	shalt  }
0x7d: {  	_ =	shalt  }
0x7e: {  	_ =	shalt  }
0x7f: {  	_ =	shalt  }
0x80: {  	_ =	shalt  }
0x81: {  	_ =	shalt  }
0x82: {  	_ =	shalt  }
0x83: {  	_ =	shalt  }
0x84: {  	_ =	shalt  }
0x85: {  	_ =	shalt  }
0x86: {  	_ =	shalt  }
0x87: {  	_ =	shalt  }
.Lfunc_end0:
.L_simem_size_0:
called_computation.1_lowered:
.L_overlay_start_0:
0x88: {  	s2 =	sld [smem:$0x3FD9]  }
0x89: {  	s3 =	sld [smem:$0x3FFE];
	_ =	sdelay $0x1  }
0x8a: {  	s1 =	srdreg.scid  }
0x8b: {  	s0 =	sand.u32 $0x1, s1  }
0x8c: {  	s17 =	sshll.u32 s0, $0xA;
	s2 =	sadd.s32 s3, s2  }
0x8d: {  	s2 =	sadd.s32 s2, s17  }
0x8e: {  	[smem:$0x3FC1] =	sst s2  }
0x8f: {  	_ = 	snop  }
0x90: {  	s2 =	sld [smem:$0x3FD0];
	(tm) =	ssettm $0x1  }
0x91: {  	s18 =	sld [smem:$0x3FFB];
	_ =	sdelay $0x3  }
0x92: {  	_ =	strace s18  }
0x93: {  	s3 =	sld [smem:$0x3FFC];
	_ =	sdelay $0x3  }
0x94: {  	_ =	strace s3  }
0x95: {  	s3 =	sld [smem:$0x3FFD];
	_ =	sdelay $0x3  }
0x96: {  	_ =	strace s3  }
0x97: {  	_ =	strace $0x8FFFFFFF  }
0x98: {  	s19 =	sld [smem:$0x3FDB];
	_ =	sdelay $0x1  }
0x99: {  	s4 =	simm.s32 $_scs_section_size  }
0x9a: {  	s5 =	simm.s32 $_size__tile_overlayer_lowered;
	s6 =	simm.s32 $_tile_overlayer_lowered  }
0x9b: {  	s22 =	simm.s32 $0x1BFF;
	s21 =	sshll.u32 s6, $0x1;
	s3 =	sadd.s32 s4, s19  }
0x9c: {  	s7 =	simm.s32 $0x0;
	s20 =	sshll.u32 s5, $0x1;
	s5 =	sadd.s32 s21, s3  }
0x9d: {  	[timem:s7], [sflag:s22] =	dma.local [hbm:s5], s20  }
0x9e: {  	_ =	swait.ge [sflag:s22], s20  }
0x9f: {  	s4 =	ssub.s32 $0x0, s20;
	[sflag:s22] =	ssyncset.done $0x0  }
0xa0: {  	[sflag:s22] =	ssyncadd.s32 s4;
	_ =	sdelay $0x1  }
0xa1: {  	s23 =	simm.s32 $0x1B8B  }
0xa2: {  	_ =	swait.ge [sflag:s23], $0x1  }
0xa3: {  	[sflag:s23] =	ssyncset.done $0x0  }
0xa4: {  	s25 =	simm.s32 $0x1B8E;
	s24 =	sld [smem:$0x3FFE];
	[sflag:s23] =	ssyncadd.s32 $0xFFFFFFFF  }
0xa5: {  	s26 =	simm.s32 $execute0_lowered;
	[smem:$0x3FD2] =	sst s25  }
0xa6: {  	s5 =	sshll.u32 s26, $0x1;
	_ =	strace $0x80000046;
	[dreg:$0x1] =	wrdreg $0xFFFFFFFF  }
0xa7: {  	s28 =	simm.s32 $_size_execute0_lowered;
	s3 =	sadd.s32 s3, s5;
	[dreg:$0x0] =	wrdreg $0x0  }
0xa8: {  	s5 =	sshll.u32 s28, $0x1;
	[dreg:$0x2] =	wrdreg s3  }
0xa9: {  	[dreg:$0x3] =	wrdreg s5  }
0xaa: {  	[dreg:$0x4] =	wrdreg $0xC0  }
0xab: {  	_ =	task [dreg:s7], $0x5FFFF  }
0xac: {  	[dreg:$0x1] =	wrdreg $0xFFFFFFFF  }
0xad: {  	[dreg:$0x0] =	wrdreg $0x60  }
0xae: {  	[dreg:$0x2] =	wrdreg s2  }
0xaf: {  	[dreg:$0x3] =	wrdreg s24  }
0xb0: {  	[dreg:$0x4] =	wrdreg $0xD0000  }
0xb1: {  	[dreg:$0x5] =	wrdreg $0xA  }
0xb2: {  	_ =	task.clear_ibuf [dreg:s7], $0x6FFFF;
	_ =	strace $0x90000046  }
0xb3: {  	s29 =	simm.s32 $0xA;
	_ =	strace $0x80000048  }
0xb4: {  	_ =	swait.ge [sflag:s29], $0x1  }
0xb5: {  	[sflag:s29] =	ssyncadd.s32 $0xFFFFFFFF  }
0xb6: {  	_ =	strace $0x90000048  }
0xb7: {  	_ =	sfence  }
0xb8: {  	s30 =	sld [smem:$0x0];
	_ =	sdelay $0x2  }
0xb9: {  	s31 =	sshll.u32 s1, $0xD;
	s1 =	sshrl.u32 s1, $0x2  }
0xba: {  	s3 =	sand.u32 $0x4000, s31;
	s1 =	sadd.s32 s1, s30  }
0xbb: {  	s0 =	sor.u32 s3, s0;
	s1 =	sshll.u32 s1, $0x11  }
0xbc: {  	s0 =	sor.u32 s1, s0  }
0xbd: {  	s0 =	sadd.s32 $0x8F2B, s0  }
0xbe: {  	[sflag:s0] =	ssyncadd.remote.s32 $0x1  }
0xbf: {  	_ =	sfence.sel $0xFFFF  }
0xc0: {  	[dreg:$0x0] =	wrdreg $0xFFFFFFFF;
	(pc) =	sbr.abs _section_cstart, $3  }
0xc1: {  	[dreg:$0x1] =	wrdreg $0xFFFFFFFF  }
0xc2: {  	_ =	task.clear_ibuf [dreg:s7], $0x2FFFF;
	_ =	strace $0x9FFFFFFF  }
0xc3: {  	(tm) =	ssettm $0x7FFFFFFF  }
tec
execute0_lowered:
.L_overlay_start_1:
0x0: {  	(tag) =	ssettag $0x1  }
0x1: {  	s1 =	rddreg [dreg:$0x0]  }
0x2: {  	s2 =	srdreg.scid;
	s6 =	rddreg [dreg:$0x1]  }
0x3: {  	s0 =	stileid.u32;
	s3 =	rddreg [dreg:$0x2]  }
0x4: {  	s4 =	simm.s32 $0x0;
	s14 =	simm.s32 $0x80;
	s15 =	simm.s32 $0x5000  }
0x5: {  	s16 =	simm.s32 $0x9000;
	s17 =	simm.s32 $0x1;
	s18 =	simm.s32 $0x2  }
0x6: {  	s19 =	simm.s32 $0x4F00;
	s20 =	simm.s32 $0x4F80;
	s21 =	simm.s32 $0x0  }
0x7: {  	s7 =	sand.u32 $0x1, s2;
	s5 =	smul.u32 $0x2800, s0;
	s2 =	rddreg [dreg:$0x3]  }
0x8: {  	[smem:$0x7FF] =	sst s4;
	s11 =	sshll.u32 s0, $0xA;
	s28 =	sshll.u32 s0, $0xD  }
0x9: {  	s31 =	sshll.u32 s0, $0x6;
	s8 =	smul.u32 $0x28000, s7;
	_ =	strace $0x80000047  }
0xa: {  	s9 =	ssub.s32 $0x2, s7;
	s11 =	sadd.s32 s11, s6;
	s29 =	sshll.u32 s7, $0xE  }
0xb: {  	s13 =	sadd.s32 s28, s3;
	s12 =	sshrl.u32 s9, $0x1;
	s30 =	sadd.s32 s29, s11  }
0xc: {  	s11 =	simm.s32 $0x2800;
	s13 =	sshrl.u32 s13, $0x3;
	s8 =	sadd.s32 s5, s8  }
0xd: {  	s5 =	sshrl.u32 s5, $0x3;
	s9 =	ssub.s32 s9, s12;
	s12 =	sor.u32 $0x1C03, s31  }
0xe: {  	s8 =	sshrl.u32 s8, $0x3;
	s10 =	sadd.s32 s5, s6;
	s5 =	sadd.s32 $0x101800, s6  }
0xf: {  	s9 =	smax.u32 s9, $0x1;
	s8 =	sadd.s32 s8, s6;
	s7 =	sadd.s32 $0xD200, s10  }
0x10: {  	s10 =	simm.s32 $0x3;
	s6 =	sadd.s32 $0x3200, s8;
	s8 =	sadd.s32 $0x103E00, s30  }
.LBB2_1:
0x11: {  	[tilespmem:s4], [sflag:$0x3] =	stream.linear.gather [hbm4b:s6+s4], $0x2800, $0x38;
	[tilespmem:$0xF000] =	vst v63  }
0x12: {  	_ =	swait.ge [sflag:s10], $0x2800  }
0x13: {  	[sflag:s10] =	ssyncset.done $0x0  }
0x14: {  	[sflag:s10] =	ssyncadd.s32 $0xFFFFD800  }
0x15: {  	[tilespmem:s11], [sflag:$0x3] =	stream.linear.gather [hbm4b:s7+s4], $0x2800, $0x38;
	[tilespmem:$0xF000] =	vst v63  }
0x16: {  	_ =	swait.ge [sflag:s10], $0x2800  }
0x17: {  	[sflag:s10] =	ssyncset.done $0x0  }
0x18: {  	[sflag:s10] =	ssyncadd.s32 $0xFFFFD800  }
0x19: {  	[spmem:s13], [sflag:s12] =	dma.local [hbm:s5], $0x400  }
0x1a: {  	_ =	swait.ge [sflag:s10], $0x400  }
0x1b: {  	[sflag:s10] =	ssyncset.done $0x0  }
0x1c: {  	[sflag:s10] =	ssyncadd.s32 $0xFFFFFC00  }
0x1d: {  	[bflag:$0x0] =	sbarrier.arrive $0xFFFF  }
0x1e: {  	[tilespmem:s15], [sflag:$0x1] =	stream.indirect.gather [hbm4b:s1+s14], $0x80, s4, s14, $0xb8;
	[tilespmem:$0xF000] =	vst v63  }
0x1f: {  	_ = 	snop  }
0x20: {  	[tilespmem:s16], [sflag:$0x2] =	stream.indirect.gather [hbm4b:s1+s14], $0x80, s14, s14, $0xb8;
	[tilespmem:$0xF000] =	vst v63  }
0x21: {  	_ =	swait.ge [sflag:s17], $0x4000  }
0x22: {  	[sflag:s17] =	ssyncset.done $0x0  }
0x23: {  	s22 =	simm.s32 $0x2800;
	[sflag:s17] =	ssyncadd.s32 $0xFFFFC000  }
0x24: {  	[spmem:s3] =	stream.indirect.scatter.add.f32 [tilespmem:s15], [sflag:$0x3], $0x80, s22, s14, $0xb8;
	[tilespmem:$0xF000] =	vst v63  }
0x25: {  	_ =	swait.ge [sflag:s10], $0x4000  }
0x26: {  	[sflag:s10] =	ssyncset.done $0x0  }
0x27: {  	s30 =	simm.s32 $0x100;
	[sflag:s10] =	ssyncadd.s32 $0xFFFFC000  }
0x28: {  	[tilespmem:s15], [sflag:$0x1] =	stream.indirect.gather [hbm4b:s1+s14], $0x80, s30, s14, $0xb8;
	[tilespmem:$0xF000] =	vst v63  }
0x29: {  	_ =	swait.ge [sflag:s18], $0x4000  }
0x2a: {  	[sflag:s18] =	ssyncset.done $0x0  }
0x2b: {  	s31 =	simm.s32 $0x2880;
	[sflag:s18] =	ssyncadd.s32 $0xFFFFC000  }
0x2c: {  	[spmem:s3] =	stream.indirect.scatter.add.f32 [tilespmem:s16], [sflag:$0x3], $0x80, s31, s14, $0xb8;
	[tilespmem:$0xF000] =	vst v63  }
0x2d: {  	_ =	swait.ge [sflag:s10], $0x4000  }
0x2e: {  	[sflag:s10] =	ssyncset.done $0x0  }
0x2f: {  	s23 =	simm.s32 $0x180;
	s22 =	simm.s32 $0x400;
	[sflag:s10] =	ssyncadd.s32 $0xFFFFC000  }
.LBB2_2:
0x30: {  	[tilespmem:s16], [sflag:$0x2] =	stream.indirect.gather [hbm4b:s1+s14], $0x80, s23, s14, $0xb8;
	[tilespmem:$0xF000] =	vst v63  }
0x31: {  	s23 =	smov.u32 s22  }
0x32: {  	p0 =	sne.s32 s22, $0x9800;
	s22 =	sadd.s32 $0x400, s22;
	_ =	swait.ge [sflag:s17], $0x4000  }
0x33: {  	s23 =	sshra.s32 s23, $0x2;
	[sflag:s17] =	ssyncset.done $0x0  }
0x34: {  	s24 =	sadd.s32 $0x2800, s23;
	[sflag:s17] =	ssyncadd.s32 $0xFFFFC000  }
0x35: {  	[spmem:s3] =	stream.indirect.scatter.add.f32 [tilespmem:s15], [sflag:$0x3], $0x80, s24, s14, $0xb8;
	[tilespmem:$0xF000] =	vst v63  }
0x36: {  	_ =	swait.ge [sflag:s10], $0x4000  }
0x37: {  	[sflag:s10] =	ssyncset.done $0x0  }
0x38: {  	s24 =	sadd.s32 $0x100, s23;
	[sflag:s10] =	ssyncadd.s32 $0xFFFFC000  }
0x39: {  	[tilespmem:s15], [sflag:$0x1] =	stream.indirect.gather [hbm4b:s1+s14], $0x80, s24, s14, $0xb8;
	[tilespmem:$0xF000] =	vst v63  }
0x3a: {  	_ =	swait.ge [sflag:s18], $0x4000  }
0x3b: {  	[sflag:s18] =	ssyncset.done $0x0  }
.Ltmp0:
0x3c: {  	s24 =	sadd.s32 $0x2880, s23;
	[sflag:s18] =	ssyncadd.s32 $0xFFFFC000;
	(pc) =	sbr.rel @p0 .LBB2_2-.Ltmp0, $4  }
0x3d: {  	[spmem:s3] =	stream.indirect.scatter.add.f32 [tilespmem:s16], [sflag:$0x3], $0x80, s24, s14, $0xb8;
	[tilespmem:$0xF000] =	vst v63  }
0x3e: {  	_ =	swait.ge [sflag:s10], $0x4000  }
0x3f: {  	[sflag:s10] =	ssyncset.done $0x0  }
0x40: {  	s23 =	sadd.s32 $0x180, s23;
	[sflag:s10] =	ssyncadd.s32 $0xFFFFC000  }
0x41: {  	[tilespmem:s16], [sflag:$0x2] =	stream.indirect.gather [hbm4b:s1+s14], $0x80, s23, s14, $0xb8;
	[tilespmem:$0xF000] =	vst v63  }
0x42: {  	_ =	swait.ge [sflag:s17], $0x4000  }
0x43: {  	[sflag:s17] =	ssyncset.done $0x0  }
0x44: {  	[sflag:s17] =	ssyncadd.s32 $0xFFFFC000  }
0x45: {  	[spmem:s3] =	stream.indirect.scatter.add.f32 [tilespmem:s15], [sflag:$0x3], $0x80, s19, s14, $0xb8;
	[tilespmem:$0xF000] =	vst v63  }
0x46: {  	_ =	swait.ge [sflag:s10], $0x4000  }
0x47: {  	[sflag:s10] =	ssyncset.done $0x0  }
0x48: {  	[sflag:s10] =	ssyncadd.s32 $0xFFFFC000  }
0x49: {  	_ =	swait.ge [sflag:s18], $0x4000  }
0x4a: {  	[sflag:s18] =	ssyncset.done $0x0  }
0x4b: {  	[sflag:s18] =	ssyncadd.s32 $0xFFFFC000  }
0x4c: {  	[spmem:s3] =	stream.indirect.scatter.add.f32 [tilespmem:s16], [sflag:$0x3], $0x80, s20, s14, $0xb8;
	[tilespmem:$0xF000] =	vst v63  }
0x4d: {  	_ =	swait.ge [sflag:s10], $0x4000  }
0x4e: {  	s21 =	sadd.s32 $0x1, s21;
	[sflag:s10] =	ssyncset.done $0x0  }
0x4f: {  	p0 =	sne.s32 s21, s9;
	[sflag:s10] =	ssyncadd.s32 $0xFFFFC000  }
.Ltmp1:
0x50: {  	[bflag:$0x0] =	sbarrier.arrive $0xFFFF;
	(pc) =	sbr.rel @p0 .LBB2_1-.Ltmp1, $4  }
0x51: {  	[hbm:s8], [sflag:s12] =	dma.local [spmem:s13], $0x400  }
0x52: {  	_ =	swait.ge [sflag:s10], $0x400  }
0x53: {  	[sflag:s10] =	ssyncset.done $0x0  }
0x54: {  	[sflag:s10] =	ssyncadd.s32 $0xFFFFFC00  }
0x55: {  	_ =	sfence.sel $0x180000  }
0x56: {  	[bflag:$0x0] =	sbarrier.arrive $0xFFFF  }
0x57: {  	p0 =	sne.s32 s0, $0x0;
	_ =	strace $0x90000047  }
0x58: {  	s0 =	sadd.s32 @!p0 $0x100000, s2;
	[bflag:$0x2] =	sbarrier.arrive $0xFFFF  }
0x59: {  	[sflag:s0] =	ssyncadd.tile.s32 @!p0 $0x1;
	_ =	shalt  }
.Lfunc_end2:
_tile_overlayer_lowered:
.L_overlay_start_2:
0x5a: {  	(tag) =	ssettag $0x2  }
0x5b: {  	s0 =	rddreg [dreg:$0x0];
	s2 =	stileid.u32  }
0x5c: {  	s1 =	rddreg [dreg:$0x1];
	p0 =	sne.s32 s2, $0x0  }
0x5d: {  	s3 =	rddreg [dreg:$0x2];
	[bflag:$0x3] =	sbarrier.arrive $0xFFFF;
	s2 =	simm.s32 @!p0 $0x1C03  }
0x5e: {  	[timem:s3], [sflag:s2] =	dma.local @!p0 [hbm:s0], s1  }
0x5f: {  	s0 =	simm.s32 @!p0 $0x3  }
0x60: {  	_ =	swait.ge @!p0 [sflag:s0], s1  }
0x61: {  	s1 =	ssub.s32 @!p0 $0x0, s1;
	[sflag:s0] =	ssyncset.done @!p0 $0x0  }
0x62: {  	[sflag:s0] =	ssyncadd.s32 @!p0 s1  }
0x63: {  	[bflag:$0x3] =	sbarrier.arrive $0xFFFF  }
0x64: {  	_ =	shalt  }

// kernel: kernel.16.cloned.1.call-start
scs
__scs_entry_jumppad:
0x0: {  	(pc) =	sbr.rel $0x88, $3  }
0x1: {  	(tag) =	ssettag $0x0;
	lr =	simm.s32 $0x1  }
0x2: {  	[smem:$0x3F9A] =	sst lr;
	_ =	strace $0xD0000000  }
0x3: {  	_ = 	snop  }
0x4: {  	_ = 	snop  }
0x5: {  	_ = 	snop  }
0x6: {  	_ = 	snop  }
0x7: {  	_ = 	snop  }
__scs_overlays_trampoline_lowered:
0x8: {  	[smem:$0x3FA9] =	sst s0  }
0x9: {  	[smem:$0x3FAA] =	sst s1  }
0xa: {  	[smem:$0x3FAB] =	sst s2  }
0xb: {  	[smem:$0x3FAC] =	sst s3  }
0xc: {  	[smem:$0x3FAD] =	sst s4  }
0xd: {  	[smem:$0x3FAE] =	sst s5  }
0xe: {  	[smem:$0x3FAF] =	sst s6  }
0xf: {  	[smem:$0x3FB0] =	sst s7  }
0x10: {  	[smem:$0x3FB1] =	sst s8  }
0x11: {  	[smem:$0x3FB2] =	sst s9;
	s0 =	simm.s32 @!p0 $0x0  }
0x12: {  	s1 =	sld [smem:$0x3F98];
	s0 =	simm.s32 @p0 $0x1  }
0x13: {  	[smem:$0x3FB3] =	sst s0;
	s0 =	simm.s32 @!p1 $0x0  }
0x14: {  	s2 =	sld [smem:$0x3F97];
	s0 =	simm.s32 @p1 $0x1  }
0x15: {  	[smem:$0x3FB4] =	sst s0;
	s0 =	simm.s32 @!p2 $0x0  }
0x16: {  	s3 =	sld [smem:$0x3FDB];
	s0 =	simm.s32 @p2 $0x1  }
0x17: {  	s4 =	simm.s32 $0x1BF5;
	[smem:$0x3FB6] =	sst s0  }
0x18: {  	s0 =	sld [smem:$0x3F99];
	_ =	swait.ge [sflag:s4], $0x0  }
0x19: {  	s7 =	sld [smem:$0x3F9A]  }
0x1a: {  	s8 =	sadd.s32 $0xFFFFE003, lr  }
0x1b: {  	s9 =	sadd.s32 $0xFFFFFEF7, lr;
	s5 =	simm.s32 $0xFFFFFFFF;
	p2 =	slt.u32 s8, $0xFFFFF086  }
0x1c: {  	p1 =	slt.u32 s9, $0xF7A;
	s5 =	simm.s32 @!p2 $0x0  }
0x1d: {  	s5 =	simm.s32 @p1 $0x1;
	p0 =	seq.s32 s7, s2  }
0x1e: {  	s7 =	smul.u32 @!p0 $0xF7A, s2;
	p2 =	seq.s32 @!p0 s5, $0x0  }
0x1f: {  	s9 =	smul.u32 $0xF7A, s1;
	s8 =	simm.s32 @!p0 $0x1BF5;
	p2 =	por !p2, p0  }
0x20: {  	[sflag:s8] =	ssyncset.s32 @!p0 $0xFFFFF086;
	s6 =	sadd.s32 @!p0 s3, s7;
	s7 =	simm.s32 @!p0 $0x108  }
0x21: {  	s3 =	sadd.s32 s3, s9;
	s6 =	sadd.s32 @!p0 $0x88, s6;
	s7 =	simm.s32 @p2 $0x1082  }
0x22: {  	[simem:s7], [sflag:s8] =	dma.local @!p0 [hbm:s6], $0xF7A  }
0x23: {  	s9 =	sor.u32 $0xD0000000, s2;
	s6 =	simm.s32 $0x108;
	_ =	swait.ge @!p0 [sflag:s8], $0x0  }
0x24: {  	s3 =	sadd.s32 $0x88, s3;
	s6 =	simm.s32 @!p1 $0x1082;
	[sflag:s4] =	ssyncset.s32 $0xFFFFF086  }
0x25: {  	[simem:s6], [sflag:s4] =	dma.local [hbm:s3], $0xF7A  }
0x26: {  	[smem:$0x3F9A] =	sst s1;
	(tag) =	ssettag s2;
	_ =	strace s9  }
0x27: {  	s1 =	sld [smem:$0x3FAA]  }
0x28: {  	s2 =	sld [smem:$0x3FAB]  }
0x29: {  	s4 =	sld [smem:$0x3FAD]  }
0x2a: {  	p0 =	seq.s32 s5, $0x0;
	s5 =	sld [smem:$0x3FAE]  }
0x2b: {  	s6 =	sld [smem:$0x3FAF]  }
0x2c: {  	s7 =	sld [smem:$0x3FB0]  }
0x2d: {  	s3 =	simm.s32 $0x108;
	s8 =	sld [smem:$0x3FB1]  }
0x2e: {  	s3 =	simm.s32 @!p0 $0x1082;
	s9 =	sld [smem:$0x3FB2]  }
0x2f: {  	lr =	sadd.s32 s0, s3;
	s0 =	sld [smem:$0x3FA9]  }
0x30: {  	s3 =	sld [smem:$0x3FAC]  }
0x31: {  	[smem:$0x3FB5] =	sst s10  }
0x32: {  	s10 =	sld [smem:$0x3FB3];
	_ =	sdelay $0x3  }
0x33: {  	p0 =	seq.s32 s10, $0x1;
	s10 =	sld [smem:$0x3FB5];
	_ =	sdelay $0x3  }
0x34: {  	[smem:$0x3FB5] =	sst s10  }
0x35: {  	s10 =	sld [smem:$0x3FB4];
	_ =	sdelay $0x3  }
0x36: {  	p1 =	seq.s32 s10, $0x1;
	s10 =	sld [smem:$0x3FB5];
	_ =	sdelay $0x3  }
0x37: {  	[smem:$0x3FB5] =	sst s10  }
0x38: {  	s10 =	sld [smem:$0x3FB6]  }
0x39: {  	_ = 	snop;
	(pc) =	sbr.ind lr, $3  }
0x3a: {  	_ = 	snop  }
0x3b: {  	_ = 	snop  }
0x3c: {  	p2 =	seq.s32 s10, $0x1;
	s10 =	sld [smem:$0x3FB5]  }
0x3d: {  	_ =	shalt  }
0x3e: {  	_ =	shalt  }
0x3f: {  	_ =	shalt  }
0x40: {  	_ =	shalt  }
0x41: {  	_ =	shalt  }
0x42: {  	_ =	shalt  }
0x43: {  	_ =	shalt  }
0x44: {  	_ =	shalt  }
0x45: {  	_ =	shalt  }
0x46: {  	_ =	shalt  }
0x47: {  	_ =	shalt  }
0x48: {  	_ =	shalt  }
0x49: {  	_ =	shalt  }
0x4a: {  	_ =	shalt  }
0x4b: {  	_ =	shalt  }
0x4c: {  	_ =	shalt  }
0x4d: {  	_ =	shalt  }
0x4e: {  	_ =	shalt  }
0x4f: {  	_ =	shalt  }
0x50: {  	_ =	shalt  }
0x51: {  	_ =	shalt  }
0x52: {  	_ =	shalt  }
0x53: {  	_ =	shalt  }
0x54: {  	_ =	shalt  }
0x55: {  	_ =	shalt  }
0x56: {  	_ =	shalt  }
0x57: {  	_ =	shalt  }
0x58: {  	_ =	shalt  }
0x59: {  	_ =	shalt  }
0x5a: {  	_ =	shalt  }
0x5b: {  	_ =	shalt  }
0x5c: {  	_ =	shalt  }
0x5d: {  	_ =	shalt  }
0x5e: {  	_ =	shalt  }
0x5f: {  	_ =	shalt  }
0x60: {  	_ =	shalt  }
0x61: {  	_ =	shalt  }
0x62: {  	_ =	shalt  }
0x63: {  	_ =	shalt  }
0x64: {  	_ =	shalt  }
0x65: {  	_ =	shalt  }
0x66: {  	_ =	shalt  }
0x67: {  	_ =	shalt  }
0x68: {  	_ =	shalt  }
0x69: {  	_ =	shalt  }
0x6a: {  	_ =	shalt  }
0x6b: {  	_ =	shalt  }
0x6c: {  	_ =	shalt  }
0x6d: {  	_ =	shalt  }
0x6e: {  	_ =	shalt  }
0x6f: {  	_ =	shalt  }
0x70: {  	_ =	shalt  }
0x71: {  	_ =	shalt  }
0x72: {  	_ =	shalt  }
0x73: {  	_ =	shalt  }
0x74: {  	_ =	shalt  }
0x75: {  	_ =	shalt  }
0x76: {  	_ =	shalt  }
0x77: {  	_ =	shalt  }
0x78: {  	_ =	shalt  }
0x79: {  	_ =	shalt  }
0x7a: {  	_ =	shalt  }
0x7b: {  	_ =	shalt  }
0x7c: {  	_ =	shalt  }
0x7d: {  	_ =	shalt  }
0x7e: {  	_ =	shalt  }
0x7f: {  	_ =	shalt  }
0x80: {  	_ =	shalt  }
0x81: {  	_ =	shalt  }
0x82: {  	_ =	shalt  }
0x83: {  	_ =	shalt  }
0x84: {  	_ =	shalt  }
0x85: {  	_ =	shalt  }
0x86: {  	_ =	shalt  }
0x87: {  	_ =	shalt  }
.Lfunc_end0:
.L_simem_size_0:
called_computation.2_lowered:
.L_overlay_start_0:
0x88: {  	s2 =	sld [smem:$0x3FD9]  }
0x89: {  	s3 =	sld [smem:$0x3FFE];
	_ =	sdelay $0x1  }
0x8a: {  	s1 =	srdreg.scid  }
0x8b: {  	s0 =	sand.u32 $0x1, s1  }
0x8c: {  	s17 =	sshll.u32 s0, $0xA;
	s2 =	sadd.s32 s3, s2  }
0x8d: {  	s2 =	sadd.s32 s2, s17  }
0x8e: {  	[smem:$0x3FC1] =	sst s2  }
0x8f: {  	_ = 	snop  }
0x90: {  	s18 =	sld [smem:$0x3FD0];
	(tm) =	ssettm $0x1  }
0x91: {  	s19 =	sld [smem:$0x3FFB];
	_ =	sdelay $0x3  }
0x92: {  	_ =	strace s19  }
0x93: {  	s2 =	sld [smem:$0x3FFC];
	_ =	sdelay $0x3  }
0x94: {  	_ =	strace s2  }
0x95: {  	s2 =	sld [smem:$0x3FFD];
	_ =	sdelay $0x3  }
0x96: {  	_ =	strace s2  }
0x97: {  	_ =	strace $0x8FFFFFFF  }
0x98: {  	s20 =	sld [smem:$0x3FDB];
	_ =	sdelay $0x1  }
0x99: {  	s4 =	simm.s32 $_scs_section_size  }
0x9a: {  	s5 =	simm.s32 $_size__tile_overlayer_lowered;
	s6 =	simm.s32 $_tile_overlayer_lowered  }
0x9b: {  	s7 =	simm.s32 $0x1BFF;
	s21 =	sshll.u32 s6, $0x1;
	s4 =	sadd.s32 s4, s20  }
0x9c: {  	s22 =	simm.s32 $0x0;
	s5 =	sshll.u32 s5, $0x1;
	s6 =	sadd.s32 s21, s4  }
0x9d: {  	[timem:s22], [sflag:s7] =	dma.local [hbm:s6], s5  }
0x9e: {  	_ =	swait.ge [sflag:s7], s5  }
0x9f: {  	s5 =	ssub.s32 $0x0, s5;
	[sflag:s7] =	ssyncset.done $0x0  }
0xa0: {  	[sflag:s7] =	ssyncadd.s32 s5;
	_ =	sdelay $0x1  }
0xa1: {  	s23 =	simm.s32 $0x1B8B  }
0xa2: {  	_ =	swait.ge [sflag:s23], $0x1  }
0xa3: {  	[sflag:s23] =	ssyncset.done $0x0  }
0xa4: {  	[sflag:s23] =	ssyncadd.s32 $0xFFFFFFFF  }
0xa5: {  	s5 =	sld [smem:$0x0]  }
0xa6: {  	s6 =	sand.u32 $0xFFFFFFFE, s1  }
0xa7: {  	p0 =	sne.s32 s1, s6  }
0xa8: {  	s6 =	sshll.u32 @p0 s6, $0xE  }
0xa9: {  	s6 =	sadd.s32 @p0 $0x11B8D, s6;
	s7 =	sshll.u32 @p0 s5, $0x11  }
0xaa: {  	s6 =	sor.u32 @p0 s7, s6  }
0xab: {  	[sflag:s6] =	ssyncadd.remote.s32 @p0 $0x1;
	_ =	sdelay $0x1  }
0xac: {  	s6 =	simm.s32 @p0 $0x1B8D  }
0xad: {  	_ =	swait.eq @p0 [sflag:s6], $0x1  }
0xae: {  	[sflag:s6] =	ssyncadd.s32 @p0 $0xFFFFFFFF  }
0xaf: {  	s7 =	sshll.u32 @!p0 s1, $0xE  }
0xb0: {  	s7 =	sor.u32 @!p0 $0x4000, s7;
	s6 =	simm.s32 @!p0 $0x1B8D  }
0xb1: {  	s5 =	sshll.u32 @!p0 s5, $0x11;
	s7 =	sadd.s32 @!p0 $0x11B8D, s7;
	_ =	swait.eq @!p0 [sflag:s6], $0x1  }
0xb2: {  	s5 =	sor.u32 @!p0 s5, s7;
	[sflag:s6] =	ssyncadd.s32 @!p0 $0xFFFFFFFF  }
0xb3: {  	s25 =	simm.s32 $0x1B8E;
	s24 =	sld [smem:$0x3FFE];
	[sflag:s5] =	ssyncadd.remote.s32 @!p0 $0x1  }
0xb4: {  	s26 =	simm.s32 $execute0_lowered;
	[smem:$0x3FD2] =	sst s25  }
0xb5: {  	s6 =	sshll.u32 s26, $0x1;
	_ =	strace $0x8000004F;
	[dreg:$0x1] =	wrdreg $0xFFFFFFFF  }
0xb6: {  	s28 =	simm.s32 $_size_execute0_lowered;
	s4 =	sadd.s32 s4, s6;
	[dreg:$0x0] =	wrdreg $0x0  }
0xb7: {  	s6 =	sshll.u32 s28, $0x1;
	[dreg:$0x2] =	wrdreg s4  }
0xb8: {  	[dreg:$0x3] =	wrdreg s6  }
0xb9: {  	[dreg:$0x4] =	wrdreg $0xC0  }
0xba: {  	_ =	task [dreg:s22], $0x5FFFF  }
0xbb: {  	[dreg:$0x1] =	wrdreg $0xFFFFFFFF  }
0xbc: {  	[dreg:$0x0] =	wrdreg $0x60  }
0xbd: {  	[dreg:$0x2] =	wrdreg s18  }
0xbe: {  	[dreg:$0x3] =	wrdreg s24  }
0xbf: {  	[dreg:$0x4] =	wrdreg $0xD0000  }
0xc0: {  	[dreg:$0x5] =	wrdreg $0x9  }
0xc1: {  	_ =	task.clear_ibuf [dreg:s22], $0x6FFFF;
	_ =	strace $0x9000004F  }
0xc2: {  	s29 =	simm.s32 $0x9;
	_ =	strace $0x80000051  }
0xc3: {  	_ =	swait.ge [sflag:s29], $0x1  }
0xc4: {  	[sflag:s29] =	ssyncadd.s32 $0xFFFFFFFF  }
0xc5: {  	_ =	strace $0x90000051  }
0xc6: {  	_ =	sfence  }
0xc7: {  	s30 =	sld [smem:$0x0];
	_ =	sdelay $0x2  }
0xc8: {  	s31 =	sshll.u32 s1, $0xD;
	s1 =	sshrl.u32 s1, $0x2  }
0xc9: {  	s4 =	sand.u32 $0x4000, s31;
	s1 =	sadd.s32 s1, s30  }
0xca: {  	s0 =	sor.u32 s4, s0;
	s1 =	sshll.u32 s1, $0x11  }
0xcb: {  	s0 =	sor.u32 s1, s0  }
0xcc: {  	s0 =	sadd.s32 $0x8F2B, s0  }
0xcd: {  	[sflag:s0] =	ssyncadd.remote.s32 $0x1  }
0xce: {  	_ =	sfence.sel $0xFFFF  }
0xcf: {  	[dreg:$0x0] =	wrdreg $0xFFFFFFFF;
	(pc) =	sbr.abs _section_cstart, $3  }
0xd0: {  	[dreg:$0x1] =	wrdreg $0xFFFFFFFF  }
0xd1: {  	_ =	task.clear_ibuf [dreg:s22], $0x2FFFF;
	_ =	strace $0x9FFFFFFF  }
0xd2: {  	(tm) =	ssettm $0x7FFFFFFF  }
0xd3: {  	_ =	shalt  }
tec
execute0_lowered:
.L_overlay_start_1:
0x0: {  	(tag) =	ssettag $0x1  }
0x1: {  	s1 =	rddreg [dreg:$0x0];
	s2 =	srdreg.scid  }
0x2: {  	s0 =	stileid.u32;
	s6 =	rddreg [dreg:$0x1]  }
0x3: {  	s3 =	rddreg [dreg:$0x2];
	s4 =	simm.s32 $0x0;
	s14 =	simm.s32 $0x80  }
0x4: {  	s15 =	simm.s32 $0x5000;
	s16 =	simm.s32 $0x9000;
	s17 =	simm.s32 $0x1  }
0x5: {  	s18 =	simm.s32 $0x2;
	s19 =	simm.s32 $0x4F00;
	s7 =	smul.u32 $0x2800, s0  }
0x6: {  	s20 =	simm.s32 $0x4F80;
	s21 =	simm.s32 $0x0;
	s10 =	smul.u32 $0x13000, s0  }
0x7: {  	s5 =	sand.u32 $0x1, s2;
	s2 =	rddreg [dreg:$0x3];
	s11 =	smul.u32 $0x4C000, s0  }
0x8: {  	[smem:$0x7FF] =	sst s4;
	s31 =	sshll.u32 s0, $0x6;
	s8 =	smul.u32 $0x28000, s5  }
0x9: {  	s9 =	smul.u32 $0x140000, s5;
	_ =	strace $0x80000050;
	s30 =	ssub.s32 $0x2, s5  }
0xa: {  	s5 =	sadd.s32 $0x101800, s6;
	s12 =	sshrl.u32 s30, $0x1;
	s11 =	sshrl.u32 s11, $0x2  }
0xb: {  	s8 =	sadd.s32 s7, s8;
	s7 =	sshrl.u32 s7, $0x3;
	s9 =	sadd.s32 s10, s9  }
0xc: {  	s10 =	ssub.s32 s30, s12;
	s13 =	sadd.s32 s11, s3;
	s11 =	simm.s32 $0x2800  }
0xd: {  	s12 =	sor.u32 $0x1C03, s31;
	s8 =	sshrl.u32 s8, $0x3;
	s7 =	sadd.s32 s7, s6  }
0xe: {  	s9 =	sshrl.u32 s9, $0x3;
	s13 =	sshrl.u32 s13, $0x3;
	s8 =	sadd.s32 s8, s6  }
0xf: {  	s9 =	sadd.s32 s9, s6;
	s7 =	sadd.s32 $0x12200, s7;
	s6 =	sadd.s32 $0x3200, s8  }
0x10: {  	s8 =	sadd.s32 $0x10BE00, s9;
	s9 =	smax.u32 s10, $0x1;
	s10 =	simm.s32 $0x3  }
.LBB2_1:
0x11: {  	[tilespmem:s4], [sflag:$0x3] =	stream.linear.gather [hbm4b:s6+s4], $0x2800, $0x38;
	v63 =	vld [tilespmem:$0x0]  }
0x12: {  	_ =	swait.ge [sflag:s10], $0x2800  }
0x13: {  	[sflag:s10] =	ssyncset.done $0x0  }
0x14: {  	[sflag:s10] =	ssyncadd.s32 $0xFFFFD800  }
0x15: {  	[tilespmem:s11], [sflag:$0x3] =	stream.linear.gather [hbm4b:s7+s4], $0x2800, $0x38;
	v63 =	vld [tilespmem:$0x0]  }
0x16: {  	_ =	swait.ge [sflag:s10], $0x2800  }
0x17: {  	[sflag:s10] =	ssyncset.done $0x0  }
0x18: {  	[sflag:s10] =	ssyncadd.s32 $0xFFFFD800  }
0x19: {  	[spmem:s13], [sflag:s12] =	dma.local [hbm:s5], $0x2600  }
0x1a: {  	_ =	swait.ge [sflag:s10], $0x2600  }
0x1b: {  	[sflag:s10] =	ssyncset.done $0x0  }
0x1c: {  	[sflag:s10] =	ssyncadd.s32 $0xFFFFDA00  }
0x1d: {  	[bflag:$0x0] =	sbarrier.arrive $0xFFFF  }
0x1e: {  	[tilespmem:s15], [sflag:$0x1] =	stream.indirect.gather [hbm4b:s1+s14], $0x80, s4, s14, $0xb8;
	v63 =	vld [tilespmem:$0x0]  }
0x1f: {  	_ = 	snop  }
0x20: {  	[tilespmem:s16], [sflag:$0x2] =	stream.indirect.gather [hbm4b:s1+s14], $0x80, s14, s14, $0xb8;
	v63 =	vld [tilespmem:$0x0]  }
0x21: {  	_ =	swait.ge [sflag:s17], $0x4000  }
0x22: {  	[sflag:s17] =	ssyncset.done $0x0  }
0x23: {  	s22 =	simm.s32 $0x2800;
	[sflag:s17] =	ssyncadd.s32 $0xFFFFC000  }
0x24: {  	[spmem:s3] =	stream.indirect.scatter.add.f32 [tilespmem:s15], [sflag:$0x3], $0x80, s22, s14, $0xb8;
	v63 =	vld [tilespmem:$0x0]  }
0x25: {  	_ =	swait.ge [sflag:s10], $0x4000  }
0x26: {  	[sflag:s10] =	ssyncset.done $0x0  }
0x27: {  	s30 =	simm.s32 $0x100;
	[sflag:s10] =	ssyncadd.s32 $0xFFFFC000  }
0x28: {  	[tilespmem:s15], [sflag:$0x1] =	stream.indirect.gather [hbm4b:s1+s14], $0x80, s30, s14, $0xb8;
	v63 =	vld [tilespmem:$0x0]  }
0x29: {  	_ =	swait.ge [sflag:s18], $0x4000  }
0x2a: {  	[sflag:s18] =	ssyncset.done $0x0  }
0x2b: {  	s31 =	simm.s32 $0x2880;
	[sflag:s18] =	ssyncadd.s32 $0xFFFFC000  }
0x2c: {  	[spmem:s3] =	stream.indirect.scatter.add.f32 [tilespmem:s16], [sflag:$0x3], $0x80, s31, s14, $0xb8;
	v63 =	vld [tilespmem:$0x0]  }
0x2d: {  	_ =	swait.ge [sflag:s10], $0x4000  }
0x2e: {  	[sflag:s10] =	ssyncset.done $0x0  }
0x2f: {  	s23 =	simm.s32 $0x180;
	s22 =	simm.s32 $0x400;
	[sflag:s10] =	ssyncadd.s32 $0xFFFFC000  }
.LBB2_2:
0x30: {  	[tilespmem:s16], [sflag:$0x2] =	stream.indirect.gather [hbm4b:s1+s14], $0x80, s23, s14, $0xb8;
	v63 =	vld [tilespmem:$0x0]  }
0x31: {  	s23 =	smov.u32 s22  }
0x32: {  	p0 =	sne.s32 s22, $0x9800;
	s22 =	sadd.s32 $0x400, s22;
	_ =	swait.ge [sflag:s17], $0x4000  }
0x33: {  	s23 =	sshra.s32 s23, $0x2;
	[sflag:s17] =	ssyncset.done $0x0  }
0x34: {  	s24 =	sadd.s32 $0x2800, s23;
	[sflag:s17] =	ssyncadd.s32 $0xFFFFC000  }
0x35: {  	[spmem:s3] =	stream.indirect.scatter.add.f32 [tilespmem:s15], [sflag:$0x3], $0x80, s24, s14, $0xb8;
	v63 =	vld [tilespmem:$0x0]  }
0x36: {  	_ =	swait.ge [sflag:s10], $0x4000  }
0x37: {  	[sflag:s10] =	ssyncset.done $0x0  }
0x38: {  	s24 =	sadd.s32 $0x100, s23;
	[sflag:s10] =	ssyncadd.s32 $0xFFFFC000  }
0x39: {  	[tilespmem:s15], [sflag:$0x1] =	stream.indirect.gather [hbm4b:s1+s14], $0x80, s24, s14, $0xb8;
	v63 =	vld [tilespmem:$0x0]  }
0x3a: {  	_ =	swait.ge [sflag:s18], $0x4000  }
0x3b: {  	[sflag:s18] =	ssyncset.done $0x0  }
.Ltmp0:
0x3c: {  	s24 =	sadd.s32 $0x2880, s23;
	[sflag:s18] =	ssyncadd.s32 $0xFFFFC000;
	(pc) =	sbr.rel @p0 .LBB2_2-.Ltmp0, $4  }
0x3d: {  	[spmem:s3] =	stream.indirect.scatter.add.f32 [tilespmem:s16], [sflag:$0x3], $0x80, s24, s14, $0xb8;
	v63 =	vld [tilespmem:$0x0]  }
0x3e: {  	_ =	swait.ge [sflag:s10], $0x4000  }
0x3f: {  	[sflag:s10] =	ssyncset.done $0x0  }
0x40: {  	s23 =	sadd.s32 $0x180, s23;
	[sflag:s10] =	ssyncadd.s32 $0xFFFFC000  }
0x41: {  	[tilespmem:s16], [sflag:$0x2] =	stream.indirect.gather [hbm4b:s1+s14], $0x80, s23, s14, $0xb8;
	v63 =	vld [tilespmem:$0x0]  }
0x42: {  	_ =	swait.ge [sflag:s17], $0x4000  }
0x43: {  	[sflag:s17] =	ssyncset.done $0x0  }
0x44: {  	[sflag:s17] =	ssyncadd.s32 $0xFFFFC000  }
0x45: {  	[spmem:s3] =	stream.indirect.scatter.add.f32 [tilespmem:s15], [sflag:$0x3], $0x80, s19, s14, $0xb8;
	v63 =	vld [tilespmem:$0x0]  }
0x46: {  	_ =	swait.ge [sflag:s10], $0x4000  }
0x47: {  	[sflag:s10] =	ssyncset.done $0x0  }
0x48: {  	[sflag:s10] =	ssyncadd.s32 $0xFFFFC000  }
0x49: {  	_ =	swait.ge [sflag:s18], $0x4000  }
0x4a: {  	[sflag:s18] =	ssyncset.done $0x0  }
0x4b: {  	[sflag:s18] =	ssyncadd.s32 $0xFFFFC000  }
0x4c: {  	[spmem:s3] =	stream.indirect.scatter.add.f32 [tilespmem:s16], [sflag:$0x3], $0x80, s20, s14, $0xb8;
	v63 =	vld [tilespmem:$0x0]  }
0x4d: {  	_ =	swait.ge [sflag:s10], $0x4000  }
0x4e: {  	s21 =	sadd.s32 $0x1, s21;
	[sflag:s10] =	ssyncset.done $0x0  }
0x4f: {  	p0 =	sne.s32 s21, s9;
	[sflag:s10] =	ssyncadd.s32 $0xFFFFC000  }
.Ltmp1:
0x50: {  	[bflag:$0x0] =	sbarrier.arrive $0xFFFF;
	(pc) =	sbr.rel @p0 .LBB2_1-.Ltmp1, $4  }
0x51: {  	[hbm:s8], [sflag:s12] =	dma.local [spmem:s13], $0x2600  }
0x52: {  	_ =	swait.ge [sflag:s10], $0x2600  }
0x53: {  	[sflag:s10] =	ssyncset.done $0x0  }
0x54: {  	[sflag:s10] =	ssyncadd.s32 $0xFFFFDA00  }
0x55: {  	_ =	sfence.sel $0x180000  }
0x56: {  	[bflag:$0x0] =	sbarrier.arrive $0xFFFF  }
0x57: {  	p0 =	sne.s32 s0, $0x0;
	_ =	strace $0x90000050  }
0x58: {  	s0 =	sadd.s32 @!p0 $0x100000, s2;
	[bflag:$0x2] =	sbarrier.arrive $0xFFFF  }
0x59: {  	[sflag:s0] =	ssyncadd.tile.s32 @!p0 $0x1;
	_ =	shalt  }
.Lfunc_end2:
_tile_overlayer_lowered:
.L_overlay_start_2:
0x5a: {  	(tag) =	ssettag $0x2  }
0x5b: {  	s0 =	rddreg [dreg:$0x0];
	s2 =	stileid.u32  }
0x5c: {  	s1 =	rddreg [dreg:$0x1];
	p0 =	sne.s32 s2, $0x0  }
0x5d: {  	s3 =	rddreg [dreg:$0x2];
	[bflag:$0x3] =	sbarrier.arrive $0xFFFF;
	s2 =	simm.s32 @!p0 $0x1C03  }
0x5e: {  	[timem:s3], [sflag:s2] =	dma.local @!p0 [hbm:s0], s1  }
0x5f: {  	s0 =	simm.s32 @!p0 $0x3  }
0x60: {  	_ =	swait.ge @!p0 [sflag:s0], s1  }
0x61: {  	s1 =	ssub.s32 @!p0 $0x0, s1;
	[sflag:s0] =	ssyncset.done @!p0 $0x0  }
0x62: {  	[sflag:s0] =	ssyncadd.s32 @!p0 s1  }
0x63: {  	[bflag:$0x3] =	sbarrier.arrive $0xFFFF  }
0x64: {  	_ =	shalt  }

// kernel: kernel.19.cloned.1.call-start
scs
__scs_entry_jumppad:
0x0: {  	(pc) =	sbr.rel $0x88, $3  }
0x1: {  	(tag) =	ssettag $0x0;
	lr =	simm.s32 $0x1  }
0x2: {  	[smem:$0x3F9A] =	sst lr;
	_ =	strace $0xD0000000  }
0x3: {  	_ = 	snop  }
0x4: {  	_ = 	snop  }
0x5: {  	_ = 	snop  }
0x6: {  	_ = 	snop  }
0x7: {  	_ = 	snop  }
__scs_overlays_trampoline_lowered:
0x8: {  	[smem:$0x3FA9] =	sst s0  }
0x9: {  	[smem:$0x3FAA] =	sst s1  }
0xa: {  	[smem:$0x3FAB] =	sst s2  }
0xb: {  	[smem:$0x3FAC] =	sst s3  }
0xc: {  	[smem:$0x3FAD] =	sst s4  }
0xd: {  	[smem:$0x3FAE] =	sst s5  }
0xe: {  	[smem:$0x3FAF] =	sst s6  }
0xf: {  	[smem:$0x3FB0] =	sst s7  }
0x10: {  	[smem:$0x3FB1] =	sst s8  }
0x11: {  	[smem:$0x3FB2] =	sst s9;
	s0 =	simm.s32 @!p0 $0x0  }
0x12: {  	s1 =	sld [smem:$0x3F98];
	s0 =	simm.s32 @p0 $0x1  }
0x13: {  	[smem:$0x3FB3] =	sst s0;
	s0 =	simm.s32 @!p1 $0x0  }
0x14: {  	s2 =	sld [smem:$0x3F97];
	s0 =	simm.s32 @p1 $0x1  }
0x15: {  	[smem:$0x3FB4] =	sst s0;
	s0 =	simm.s32 @!p2 $0x0  }
0x16: {  	s3 =	sld [smem:$0x3FDB];
	s0 =	simm.s32 @p2 $0x1  }
0x17: {  	s4 =	simm.s32 $0x1BF5;
	[smem:$0x3FB6] =	sst s0  }
0x18: {  	s0 =	sld [smem:$0x3F99];
	_ =	swait.ge [sflag:s4], $0x0  }
0x19: {  	s7 =	sld [smem:$0x3F9A]  }
0x1a: {  	s8 =	sadd.s32 $0xFFFFE003, lr  }
0x1b: {  	s9 =	sadd.s32 $0xFFFFFEF7, lr;
	s5 =	simm.s32 $0xFFFFFFFF;
	p2 =	slt.u32 s8, $0xFFFFF086  }
0x1c: {  	p1 =	slt.u32 s9, $0xF7A;
	s5 =	simm.s32 @!p2 $0x0  }
0x1d: {  	s5 =	simm.s32 @p1 $0x1;
	p0 =	seq.s32 s7, s2  }
0x1e: {  	s7 =	smul.u32 @!p0 $0xF7A, s2;
	p2 =	seq.s32 @!p0 s5, $0x0  }
0x1f: {  	s9 =	smul.u32 $0xF7A, s1;
	s8 =	simm.s32 @!p0 $0x1BF5;
	p2 =	por !p2, p0  }
0x20: {  	[sflag:s8] =	ssyncset.s32 @!p0 $0xFFFFF086;
	s6 =	sadd.s32 @!p0 s3, s7;
	s7 =	simm.s32 @!p0 $0x108  }
0x21: {  	s3 =	sadd.s32 s3, s9;
	s6 =	sadd.s32 @!p0 $0x88, s6;
	s7 =	simm.s32 @p2 $0x1082  }
0x22: {  	[simem:s7], [sflag:s8] =	dma.local @!p0 [hbm:s6], $0xF7A  }
0x23: {  	s9 =	sor.u32 $0xD0000000, s2;
	s6 =	simm.s32 $0x108;
	_ =	swait.ge @!p0 [sflag:s8], $0x0  }
0x24: {  	s3 =	sadd.s32 $0x88, s3;
	s6 =	simm.s32 @!p1 $0x1082;
	[sflag:s4] =	ssyncset.s32 $0xFFFFF086  }
0x25: {  	[simem:s6], [sflag:s4] =	dma.local [hbm:s3], $0xF7A  }
0x26: {  	[smem:$0x3F9A] =	sst s1;
	(tag) =	ssettag s2;
	_ =	strace s9  }
0x27: {  	s1 =	sld [smem:$0x3FAA]  }
0x28: {  	s2 =	sld [smem:$0x3FAB]  }
0x29: {  	s4 =	sld [smem:$0x3FAD]  }
0x2a: {  	p0 =	seq.s32 s5, $0x0;
	s5 =	sld [smem:$0x3FAE]  }
0x2b: {  	s6 =	sld [smem:$0x3FAF]  }
0x2c: {  	s7 =	sld [smem:$0x3FB0]  }
0x2d: {  	s3 =	simm.s32 $0x108;
	s8 =	sld [smem:$0x3FB1]  }
0x2e: {  	s3 =	simm.s32 @!p0 $0x1082;
	s9 =	sld [smem:$0x3FB2]  }
0x2f: {  	lr =	sadd.s32 s0, s3;
	s0 =	sld [smem:$0x3FA9]  }
0x30: {  	s3 =	sld [smem:$0x3FAC]  }
0x31: {  	[smem:$0x3FB5] =	sst s10  }
0x32: {  	s10 =	sld [smem:$0x3FB3];
	_ =	sdelay $0x3  }
0x33: {  	p0 =	seq.s32 s10, $0x1;
	s10 =	sld [smem:$0x3FB5];
	_ =	sdelay $0x3  }
0x34: {  	[smem:$0x3FB5] =	sst s10  }
0x35: {  	s10 =	sld [smem:$0x3FB4];
	_ =	sdelay $0x3  }
0x36: {  	p1 =	seq.s32 s10, $0x1;
	s10 =	sld [smem:$0x3FB5];
	_ =	sdelay $0x3  }
0x37: {  	[smem:$0x3FB5] =	sst s10  }
0x38: {  	s10 =	sld [smem:$0x3FB6]  }
0x39: {  	_ = 	snop;
	(pc) =	sbr.ind lr, $3  }
0x3a: {  	_ = 	snop  }
0x3b: {  	_ = 	snop  }
0x3c: {  	p2 =	seq.s32 s10, $0x1;
	s10 =	sld [smem:$0x3FB5]  }
0x3d: {  	_ =	shalt  }
0x3e: {  	_ =	shalt  }
0x3f: {  	_ =	shalt  }
0x40: {  	_ =	shalt  }
0x41: {  	_ =	shalt  }
0x42: {  	_ =	shalt  }
0x43: {  	_ =	shalt  }
0x44: {  	_ =	shalt  }
0x45: {  	_ =	shalt  }
0x46: {  	_ =	shalt  }
0x47: {  	_ =	shalt  }
0x48: {  	_ =	shalt  }
0x49: {  	_ =	shalt  }
0x4a: {  	_ =	shalt  }
0x4b: {  	_ =	shalt  }
0x4c: {  	_ =	shalt  }
0x4d: {  	_ =	shalt  }
0x4e: {  	_ =	shalt  }
0x4f: {  	_ =	shalt  }
0x50: {  	_ =	shalt  }
0x51: {  	_ =	shalt  }
0x52: {  	_ =	shalt  }
0x53: {  	_ =	shalt  }
0x54: {  	_ =	shalt  }
0x55: {  	_ =	shalt  }
0x56: {  	_ =	shalt  }
0x57: {  	_ =	shalt  }
0x58: {  	_ =	shalt  }
0x59: {  	_ =	shalt  }
0x5a: {  	_ =	shalt  }
0x5b: {  	_ =	shalt  }
0x5c: {  	_ =	shalt  }
0x5d: {  	_ =	shalt  }
0x5e: {  	_ =	shalt  }
0x5f: {  	_ =	shalt  }
0x60: {  	_ =	shalt  }
0x61: {  	_ =	shalt  }
0x62: {  	_ =	shalt  }
0x63: {  	_ =	shalt  }
0x64: {  	_ =	shalt  }
0x65: {  	_ =	shalt  }
0x66: {  	_ =	shalt  }
0x67: {  	_ =	shalt  }
0x68: {  	_ =	shalt  }
0x69: {  	_ =	shalt  }
0x6a: {  	_ =	shalt  }
0x6b: {  	_ =	shalt  }
0x6c: {  	_ =	shalt  }
0x6d: {  	_ =	shalt  }
0x6e: {  	_ =	shalt  }
0x6f: {  	_ =	shalt  }
0x70: {  	_ =	shalt  }
0x71: {  	_ =	shalt  }
0x72: {  	_ =	shalt  }
0x73: {  	_ =	shalt  }
0x74: {  	_ =	shalt  }
0x75: {  	_ =	shalt  }
0x76: {  	_ =	shalt  }
0x77: {  	_ =	shalt  }
0x78: {  	_ =	shalt  }
0x79: {  	_ =	shalt  }
0x7a: {  	_ =	shalt  }
0x7b: {  	_ =	shalt  }
0x7c: {  	_ =	shalt  }
0x7d: {  	_ =	shalt  }
0x7e: {  	_ =	shalt  }
0x7f: {  	_ =	shalt  }
0x80: {  	_ =	shalt  }
0x81: {  	_ =	shalt  }
0x82: {  	_ =	shalt  }
0x83: {  	_ =	shalt  }
0x84: {  	_ =	shalt  }
0x85: {  	_ =	shalt  }
0x86: {  	_ =	shalt  }
0x87: {  	_ =	shalt  }
.Lfunc_end0:
.L_simem_size_0:
called_computation.3_lowered:
.L_overlay_start_0:
0x88: {  	s2 =	sld [smem:$0x3FD9]  }
0x89: {  	s3 =	sld [smem:$0x3FFE];
	_ =	sdelay $0x1  }
0x8a: {  	s1 =	srdreg.scid  }
0x8b: {  	s0 =	sand.u32 $0x1, s1  }
0x8c: {  	s17 =	sshll.u32 s0, $0xA;
	s2 =	sadd.s32 s3, s2  }
0x8d: {  	s2 =	sadd.s32 s2, s17  }
0x8e: {  	[smem:$0x3FC1] =	sst s2  }
0x8f: {  	_ = 	snop  }
0x90: {  	s2 =	sld [smem:$0x3FD0];
	(tm) =	ssettm $0x1  }
0x91: {  	s18 =	sld [smem:$0x3FFB];
	_ =	sdelay $0x3  }
0x92: {  	_ =	strace s18  }
0x93: {  	s3 =	sld [smem:$0x3FFC];
	_ =	sdelay $0x3  }
0x94: {  	_ =	strace s3  }
0x95: {  	s3 =	sld [smem:$0x3FFD];
	_ =	sdelay $0x3  }
0x96: {  	_ =	strace s3  }
0x97: {  	_ =	strace $0x8FFFFFFF  }
0x98: {  	s19 =	sld [smem:$0x3FDB];
	_ =	sdelay $0x1  }
0x99: {  	s4 =	simm.s32 $_scs_section_size  }
0x9a: {  	s5 =	simm.s32 $_size__tile_overlayer_lowered;
	s6 =	simm.s32 $_tile_overlayer_lowered  }
0x9b: {  	s22 =	simm.s32 $0x1BFF;
	s21 =	sshll.u32 s6, $0x1;
	s3 =	sadd.s32 s4, s19  }
0x9c: {  	s7 =	simm.s32 $0x0;
	s20 =	sshll.u32 s5, $0x1;
	s5 =	sadd.s32 s21, s3  }
0x9d: {  	[timem:s7], [sflag:s22] =	dma.local [hbm:s5], s20  }
0x9e: {  	_ =	swait.ge [sflag:s22], s20  }
0x9f: {  	s4 =	ssub.s32 $0x0, s20;
	[sflag:s22] =	ssyncset.done $0x0  }
0xa0: {  	[sflag:s22] =	ssyncadd.s32 s4;
	_ =	sdelay $0x1  }
0xa1: {  	s23 =	simm.s32 $0x1B8B  }
0xa2: {  	_ =	swait.ge [sflag:s23], $0x1  }
0xa3: {  	[sflag:s23] =	ssyncset.done $0x0  }
0xa4: {  	s25 =	simm.s32 $0x1B8E;
	s24 =	sld [smem:$0x3FFE];
	[sflag:s23] =	ssyncadd.s32 $0xFFFFFFFF  }
0xa5: {  	s26 =	simm.s32 $execute0_lowered;
	[smem:$0x3FD2] =	sst s25  }
0xa6: {  	s5 =	sshll.u32 s26, $0x1;
	_ =	strace $0x8000004C;
	[dreg:$0x1] =	wrdreg $0xFFFFFFFF  }
0xa7: {  	s28 =	simm.s32 $_size_execute0_lowered;
	s3 =	sadd.s32 s3, s5;
	[dreg:$0x0] =	wrdreg $0x0  }
0xa8: {  	s5 =	sshll.u32 s28, $0x1;
	[dreg:$0x2] =	wrdreg s3  }
0xa9: {  	[dreg:$0x3] =	wrdreg s5  }
0xaa: {  	[dreg:$0x4] =	wrdreg $0xC0  }
0xab: {  	_ =	task [dreg:s7], $0x5FFFF  }
0xac: {  	[dreg:$0x1] =	wrdreg $0xFFFFFFFF  }
0xad: {  	[dreg:$0x0] =	wrdreg $0x60  }
0xae: {  	[dreg:$0x2] =	wrdreg s2  }
0xaf: {  	[dreg:$0x3] =	wrdreg s24  }
0xb0: {  	[dreg:$0x4] =	wrdreg $0xD0000  }
0xb1: {  	[dreg:$0x5] =	wrdreg $0xA  }
0xb2: {  	_ =	task.clear_ibuf [dreg:s7], $0x6FFFF;
	_ =	strace $0x9000004C  }
0xb3: {  	s29 =	simm.s32 $0xA;
	_ =	strace $0x8000004E  }
0xb4: {  	_ =	swait.ge [sflag:s29], $0x1  }
0xb5: {  	[sflag:s29] =	ssyncadd.s32 $0xFFFFFFFF  }
0xb6: {  	_ =	strace $0x9000004E  }
0xb7: {  	_ =	sfence  }
0xb8: {  	s30 =	sld [smem:$0x0];
	_ =	sdelay $0x2  }
0xb9: {  	s31 =	sshll.u32 s1, $0xD;
	s1 =	sshrl.u32 s1, $0x2  }
0xba: {  	s3 =	sand.u32 $0x4000, s31;
	s1 =	sadd.s32 s1, s30  }
0xbb: {  	s0 =	sor.u32 s3, s0;
	s1 =	sshll.u32 s1, $0x11  }
0xbc: {  	s0 =	sor.u32 s1, s0  }
0xbd: {  	s0 =	sadd.s32 $0x8F2B, s0  }
0xbe: {  	[sflag:s0] =	ssyncadd.remote.s32 $0x1  }
0xbf: {  	_ =	sfence.sel $0xFFFF  }
0xc0: {  	[dreg:$0x0] =	wrdreg $0xFFFFFFFF;
	(pc) =	sbr.abs _section_cstart, $3  }
0xc1: {  	[dreg:$0x1] =	wrdreg $0xFFFFFFFF  }
0xc2: {  	_ =	task.clear_ibuf [dreg:s7], $0x2FFFF;
	_ =	strace $0x9FFFFFFF  }
0xc3: {  	(tm) =	ssettm $0x7FFFFFFF  }
tec
execute0_lowered:
.L_overlay_start_1:
0x0: {  	(tag) =	ssettag $0x1  }
0x1: {  	s1 =	rddreg [dreg:$0x0]  }
0x2: {  	s2 =	srdreg.scid;
	s6 =	rddreg [dreg:$0x1]  }
0x3: {  	s0 =	stileid.u32;
	s3 =	rddreg [dreg:$0x2]  }
0x4: {  	s4 =	simm.s32 $0x0;
	s14 =	simm.s32 $0x80;
	s15 =	simm.s32 $0x5000  }
0x5: {  	s16 =	simm.s32 $0x9000;
	s17 =	simm.s32 $0x1;
	s18 =	simm.s32 $0x2  }
0x6: {  	s19 =	simm.s32 $0x4F00;
	s20 =	simm.s32 $0x4F80;
	s21 =	simm.s32 $0x0  }
0x7: {  	s7 =	sand.u32 $0x1, s2;
	s5 =	smul.u32 $0x2800, s0;
	s2 =	rddreg [dreg:$0x3]  }
0x8: {  	[smem:$0x7FF] =	sst s4;
	s11 =	sshll.u32 s0, $0xA;
	s28 =	sshll.u32 s0, $0xD  }
0x9: {  	s31 =	sshll.u32 s0, $0x6;
	s8 =	smul.u32 $0x28000, s7;
	_ =	strace $0x8000004D  }
0xa: {  	s9 =	ssub.s32 $0x2, s7;
	s11 =	sadd.s32 s11, s6;
	s29 =	sshll.u32 s7, $0xE  }
0xb: {  	s13 =	sadd.s32 s28, s3;
	s12 =	sshrl.u32 s9, $0x1;
	s30 =	sadd.s32 s29, s11  }
0xc: {  	s11 =	simm.s32 $0x2800;
	s13 =	sshrl.u32 s13, $0x3;
	s8 =	sadd.s32 s5, s8  }
0xd: {  	s5 =	sshrl.u32 s5, $0x3;
	s9 =	ssub.s32 s9, s12;
	s12 =	sor.u32 $0x1C03, s31  }
0xe: {  	s8 =	sshrl.u32 s8, $0x3;
	s10 =	sadd.s32 s5, s6;
	s5 =	sadd.s32 $0x101800, s6  }
0xf: {  	s9 =	smax.u32 s9, $0x1;
	s8 =	sadd.s32 s8, s6;
	s7 =	sadd.s32 $0xD200, s10  }
0x10: {  	s10 =	simm.s32 $0x3;
	s6 =	sadd.s32 $0x3200, s8;
	s8 =	sadd.s32 $0x103E00, s30  }
.LBB2_1:
0x11: {  	[tilespmem:s4], [sflag:$0x3] =	stream.linear.gather [hbm4b:s6+s4], $0x2800, $0x38;
	[tilespmem:$0xF000] =	vst v63  }
0x12: {  	_ =	swait.ge [sflag:s10], $0x2800  }
0x13: {  	[sflag:s10] =	ssyncset.done $0x0  }
0x14: {  	[sflag:s10] =	ssyncadd.s32 $0xFFFFD800  }
0x15: {  	[tilespmem:s11], [sflag:$0x3] =	stream.linear.gather [hbm4b:s7+s4], $0x2800, $0x38;
	[tilespmem:$0xF000] =	vst v63  }
0x16: {  	_ =	swait.ge [sflag:s10], $0x2800  }
0x17: {  	[sflag:s10] =	ssyncset.done $0x0  }
0x18: {  	[sflag:s10] =	ssyncadd.s32 $0xFFFFD800  }
0x19: {  	[spmem:s13], [sflag:s12] =	dma.local [hbm:s5], $0x400  }
0x1a: {  	_ =	swait.ge [sflag:s10], $0x400  }
0x1b: {  	[sflag:s10] =	ssyncset.done $0x0  }
0x1c: {  	[sflag:s10] =	ssyncadd.s32 $0xFFFFFC00  }
0x1d: {  	[bflag:$0x0] =	sbarrier.arrive $0xFFFF  }
0x1e: {  	[tilespmem:s15], [sflag:$0x1] =	stream.indirect.gather [hbm4b:s1+s14], $0x80, s4, s14, $0xb8;
	[tilespmem:$0xF000] =	vst v63  }
0x1f: {  	_ = 	snop  }
0x20: {  	[tilespmem:s16], [sflag:$0x2] =	stream.indirect.gather [hbm4b:s1+s14], $0x80, s14, s14, $0xb8;
	[tilespmem:$0xF000] =	vst v63  }
0x21: {  	_ =	swait.ge [sflag:s17], $0x4000  }
0x22: {  	[sflag:s17] =	ssyncset.done $0x0  }
0x23: {  	s22 =	simm.s32 $0x2800;
	[sflag:s17] =	ssyncadd.s32 $0xFFFFC000  }
0x24: {  	[spmem:s3] =	stream.indirect.scatter.add.f32 [tilespmem:s15], [sflag:$0x3], $0x80, s22, s14, $0xb8;
	[tilespmem:$0xF000] =	vst v63  }
0x25: {  	_ =	swait.ge [sflag:s10], $0x4000  }
0x26: {  	[sflag:s10] =	ssyncset.done $0x0  }
0x27: {  	s30 =	simm.s32 $0x100;
	[sflag:s10] =	ssyncadd.s32 $0xFFFFC000  }
0x28: {  	[tilespmem:s15], [sflag:$0x1] =	stream.indirect.gather [hbm4b:s1+s14], $0x80, s30, s14, $0xb8;
	[tilespmem:$0xF000] =	vst v63  }
0x29: {  	_ =	swait.ge [sflag:s18], $0x4000  }
0x2a: {  	[sflag:s18] =	ssyncset.done $0x0  }
0x2b: {  	s31 =	simm.s32 $0x2880;
	[sflag:s18] =	ssyncadd.s32 $0xFFFFC000  }
0x2c: {  	[spmem:s3] =	stream.indirect.scatter.add.f32 [tilespmem:s16], [sflag:$0x3], $0x80, s31, s14, $0xb8;
	[tilespmem:$0xF000] =	vst v63  }
0x2d: {  	_ =	swait.ge [sflag:s10], $0x4000  }
0x2e: {  	[sflag:s10] =	ssyncset.done $0x0  }
0x2f: {  	s23 =	simm.s32 $0x180;
	s22 =	simm.s32 $0x400;
	[sflag:s10] =	ssyncadd.s32 $0xFFFFC000  }
.LBB2_2:
0x30: {  	[tilespmem:s16], [sflag:$0x2] =	stream.indirect.gather [hbm4b:s1+s14], $0x80, s23, s14, $0xb8;
	[tilespmem:$0xF000] =	vst v63  }
0x31: {  	s23 =	smov.u32 s22  }
0x32: {  	p0 =	sne.s32 s22, $0x9800;
	s22 =	sadd.s32 $0x400, s22;
	_ =	swait.ge [sflag:s17], $0x4000  }
0x33: {  	s23 =	sshra.s32 s23, $0x2;
	[sflag:s17] =	ssyncset.done $0x0  }
0x34: {  	s24 =	sadd.s32 $0x2800, s23;
	[sflag:s17] =	ssyncadd.s32 $0xFFFFC000  }
0x35: {  	[spmem:s3] =	stream.indirect.scatter.add.f32 [tilespmem:s15], [sflag:$0x3], $0x80, s24, s14, $0xb8;
	[tilespmem:$0xF000] =	vst v63  }
0x36: {  	_ =	swait.ge [sflag:s10], $0x4000  }
0x37: {  	[sflag:s10] =	ssyncset.done $0x0  }
0x38: {  	s24 =	sadd.s32 $0x100, s23;
	[sflag:s10] =	ssyncadd.s32 $0xFFFFC000  }
0x39: {  	[tilespmem:s15], [sflag:$0x1] =	stream.indirect.gather [hbm4b:s1+s14], $0x80, s24, s14, $0xb8;
	[tilespmem:$0xF000] =	vst v63  }
0x3a: {  	_ =	swait.ge [sflag:s18], $0x4000  }
0x3b: {  	[sflag:s18] =	ssyncset.done $0x0  }
.Ltmp0:
0x3c: {  	s24 =	sadd.s32 $0x2880, s23;
	[sflag:s18] =	ssyncadd.s32 $0xFFFFC000;
	(pc) =	sbr.rel @p0 .LBB2_2-.Ltmp0, $4  }
0x3d: {  	[spmem:s3] =	stream.indirect.scatter.add.f32 [tilespmem:s16], [sflag:$0x3], $0x80, s24, s14, $0xb8;
	[tilespmem:$0xF000] =	vst v63  }
0x3e: {  	_ =	swait.ge [sflag:s10], $0x4000  }
0x3f: {  	[sflag:s10] =	ssyncset.done $0x0  }
0x40: {  	s23 =	sadd.s32 $0x180, s23;
	[sflag:s10] =	ssyncadd.s32 $0xFFFFC000  }
0x41: {  	[tilespmem:s16], [sflag:$0x2] =	stream.indirect.gather [hbm4b:s1+s14], $0x80, s23, s14, $0xb8;
	[tilespmem:$0xF000] =	vst v63  }
0x42: {  	_ =	swait.ge [sflag:s17], $0x4000  }
0x43: {  	[sflag:s17] =	ssyncset.done $0x0  }
0x44: {  	[sflag:s17] =	ssyncadd.s32 $0xFFFFC000  }
0x45: {  	[spmem:s3] =	stream.indirect.scatter.add.f32 [tilespmem:s15], [sflag:$0x3], $0x80, s19, s14, $0xb8;
	[tilespmem:$0xF000] =	vst v63  }
0x46: {  	_ =	swait.ge [sflag:s10], $0x4000  }
0x47: {  	[sflag:s10] =	ssyncset.done $0x0  }
0x48: {  	[sflag:s10] =	ssyncadd.s32 $0xFFFFC000  }
0x49: {  	_ =	swait.ge [sflag:s18], $0x4000  }
0x4a: {  	[sflag:s18] =	ssyncset.done $0x0  }
0x4b: {  	[sflag:s18] =	ssyncadd.s32 $0xFFFFC000  }
0x4c: {  	[spmem:s3] =	stream.indirect.scatter.add.f32 [tilespmem:s16], [sflag:$0x3], $0x80, s20, s14, $0xb8;
	[tilespmem:$0xF000] =	vst v63  }
0x4d: {  	_ =	swait.ge [sflag:s10], $0x4000  }
0x4e: {  	s21 =	sadd.s32 $0x1, s21;
	[sflag:s10] =	ssyncset.done $0x0  }
0x4f: {  	p0 =	sne.s32 s21, s9;
	[sflag:s10] =	ssyncadd.s32 $0xFFFFC000  }
.Ltmp1:
0x50: {  	[bflag:$0x0] =	sbarrier.arrive $0xFFFF;
	(pc) =	sbr.rel @p0 .LBB2_1-.Ltmp1, $4  }
0x51: {  	[hbm:s8], [sflag:s12] =	dma.local [spmem:s13], $0x400  }
0x52: {  	_ =	swait.ge [sflag:s10], $0x400  }
0x53: {  	[sflag:s10] =	ssyncset.done $0x0  }
0x54: {  	[sflag:s10] =	ssyncadd.s32 $0xFFFFFC00  }
0x55: {  	_ =	sfence.sel $0x180000  }
0x56: {  	[bflag:$0x0] =	sbarrier.arrive $0xFFFF  }
0x57: {  	p0 =	sne.s32 s0, $0x0;
	_ =	strace $0x9000004D  }
0x58: {  	s0 =	sadd.s32 @!p0 $0x100000, s2;
	[bflag:$0x2] =	sbarrier.arrive $0xFFFF  }
0x59: {  	[sflag:s0] =	ssyncadd.tile.s32 @!p0 $0x1;
	_ =	shalt  }
.Lfunc_end2:
_tile_overlayer_lowered:
.L_overlay_start_2:
0x5a: {  	(tag) =	ssettag $0x2  }
0x5b: {  	s0 =	rddreg [dreg:$0x0];
	s2 =	stileid.u32  }
0x5c: {  	s1 =	rddreg [dreg:$0x1];
	p0 =	sne.s32 s2, $0x0  }
0x5d: {  	s3 =	rddreg [dreg:$0x2];
	[bflag:$0x3] =	sbarrier.arrive $0xFFFF;
	s2 =	simm.s32 @!p0 $0x1C03  }
0x5e: {  	[timem:s3], [sflag:s2] =	dma.local @!p0 [hbm:s0], s1  }
0x5f: {  	s0 =	simm.s32 @!p0 $0x3  }
0x60: {  	_ =	swait.ge @!p0 [sflag:s0], s1  }
0x61: {  	s1 =	ssub.s32 @!p0 $0x0, s1;
	[sflag:s0] =	ssyncset.done @!p0 $0x0  }
0x62: {  	[sflag:s0] =	ssyncadd.s32 @!p0 s1  }
0x63: {  	[bflag:$0x3] =	sbarrier.arrive $0xFFFF  }
0x64: {  	_ =	shalt  }

</sc_bundles>
